<compile_context>
chip_gen: v7x
topology: tpu7x:2x2x1
jax: 0.10.2.dev20260603
libtpu: 0.0.44.dev20260713+nightly
codegen_flags: <defaults>
</compile_context>

<pallas_src>
import functools

import jax
import jax.numpy as jnp
from jax import lax
from jax.experimental import pallas as pl
from jax.experimental.pallas import tpu as pltpu
from jax.experimental.pallas import tpu_sc as plsc

_B = 16384
_DMF = 64
_DMLP = 128
_CH = 128
_NSETS = 3
_DEPTH = 4
_LAG_W = 2


@functools.lru_cache(maxsize=None)
def _make_gather(rows_a, rows_b):
    info = plsc.get_sparse_core_info()
    nc, ns = info.num_cores, info.num_subcores
    nw = nc * ns
    bpw = _B // nw
    nch = bpw // _CH
    nk = _NSETS * nch
    mesh = plsc.VectorSubcoreMesh(core_axis_name="c", subcore_axis_name="s")

    @functools.partial(
        pl.kernel,
        mesh=mesh,
        out_type=[jax.ShapeDtypeStruct((_B, _DMLP), jnp.float32)
                  for _ in range(_NSETS)],
        scratch_types=[
            pltpu.VMEM((nk, _CH), jnp.int32),
        ] + [pltpu.VMEM((_CH, _DMLP), jnp.float32) for _ in range(_DEPTH)] + [
            pltpu.SemaphoreType.DMA,
            pltpu.SemaphoreType.DMA,
        ],
    )
    def gather(idx_all, table_a, table_b, o_u, o_i, o_n,
               idx_v, *bufs_and_sems):
        bufs = bufs_and_sems[:_DEPTH]
        sem_g, sem_w = bufs_and_sems[_DEPTH], bufs_and_sems[_DEPTH + 1]
        tables = [table_a, table_b, table_b]
        outs = [o_u, o_i, o_n]
        wid = lax.axis_index("s") * nc + lax.axis_index("c")
        base = wid * bpw
        pltpu.sync_copy(idx_all.at[wid], idx_v)

        gcps = [None] * nk
        wcps = [None] * nk

        def issue_write(m):
            s, j = divmod(m, nch)
            gcps[m].wait()
            wcps[m] = pltpu.async_copy(
                bufs[m % _DEPTH],
                outs[s].at[pl.ds(base + j * _CH, _CH)], sem_w)

        for k in range(nk):
            if k >= _LAG_W:
                issue_write(k - _LAG_W)
            if k >= _DEPTH:
                wcps[k - _DEPTH].wait()
            s = k // nch
            gcps[k] = pltpu.async_copy(
                tables[s].at[idx_v.at[k]], bufs[k % _DEPTH], sem_g)
        for m in range(nk - _LAG_W, nk):
            issue_write(m)
        for m in range(nk - _DEPTH, nk):
            wcps[m].wait()

    return gather


_NI = 100000
_RB = 4096
_RNB = 13
_OFF = _RB * _RNB
_RNB_IN = (_NI - _OFF) // _RB
_TAIL0 = _OFF + _RNB_IN * _RB


def _repack_body(au_r, bu_r, tu_r, ai_r, bi_r, ti_r, ou_r, oi_r):
    i = pl.program_id(0)
    ou_r[:, :_DMF] = au_r[...].T
    oi_r[:, :_DMF] = ai_r[...].T

    @pl.when(i < _RNB_IN)
    def _():
        ou_r[:, _DMF:] = bu_r[...].T
        oi_r[:, _DMF:] = bi_r[...].T

    @pl.when(i >= _RNB_IN)
    def _():
        ou_r[:, _DMF:] = tu_r[...].T
        oi_r[:, _DMF:] = ti_r[...].T


def _repack(mf_user_t, mf_item_t):
    ntail = _RNB - _RNB_IN
    tw = ntail * _RB

    def tail(t):
        return jnp.pad(t[:, _TAIL0:], ((0, 0), (0, tw - (_NI - _TAIL0))))

    a_map = lambda i: (0, i)
    b_map = lambda i: (0, jnp.minimum(i + _RNB, _RNB + _RNB_IN - 1))
    t_map = lambda i: (0, jnp.clip(i - _RNB_IN, 0, ntail - 1))
    return pl.pallas_call(
        _repack_body,
        grid=(_RNB,),
        in_specs=[pl.BlockSpec((_DMF, _RB), a_map),
                  pl.BlockSpec((_DMF, _RB), b_map),
                  pl.BlockSpec((_DMF, _RB), t_map),
                  pl.BlockSpec((_DMF, _RB), a_map),
                  pl.BlockSpec((_DMF, _RB), b_map),
                  pl.BlockSpec((_DMF, _RB), t_map)],
        out_specs=[pl.BlockSpec((_RB, _DMLP), lambda i: (i, 0)),
                   pl.BlockSpec((_RB, _DMLP), lambda i: (i, 0))],
        out_shape=[jax.ShapeDtypeStruct((_OFF, _DMLP), jnp.float32),
                   jax.ShapeDtypeStruct((_OFF, _DMLP), jnp.float32)],
        compiler_params=pltpu.CompilerParams(
            dimension_semantics=("arbitrary",)),
    )(mf_user_t, mf_user_t, tail(mf_user_t),
      mf_item_t, mf_item_t, tail(mf_item_t))


def _half(wide, par):
    return jnp.where(par == 1.0, wide[:, _DMF:], wide[:, :_DMF])


def _tc_body(umf_r, imf_r, nmf_r, umlp_r, imlp_r, nmlp_r,
             par_r,
             w1a_r, w1b_r, b1_r, w2_r, b2_r, w3_r, b3_r,
             wpmf_r, wpmlp_r, bp_r, out_r):
    pt = par_r[...].T
    w1a = w1a_r[...]
    w1b = w1b_r[...]
    b1 = b1_r[...]
    w2 = w2_r[...]
    b2 = b2_r[...]
    w3 = w3_r[...]
    b3 = b3_r[...]
    wpmf = wpmf_r[...]
    wpmlp = wpmlp_r[...]
    bp = bp_r[...]
    umf = _half(umf_r[...], pt[:, 0:1])
    umlp = umlp_r[...]
    u1 = jnp.dot(umlp, w1a, preferred_element_type=jnp.float32)

    def score(imf, imlp):
        h = jnp.maximum(
            u1 + jnp.dot(imlp, w1b, preferred_element_type=jnp.float32) + b1,
            0.0)
        h = jnp.maximum(
            jnp.dot(h, w2, preferred_element_type=jnp.float32) + b2, 0.0)
        h = jnp.maximum(
            jnp.dot(h, w3, preferred_element_type=jnp.float32) + b3, 0.0)
        logit = (jnp.dot(umf * imf, wpmf, preferred_element_type=jnp.float32)
                 + jnp.dot(h, wpmlp, preferred_element_type=jnp.float32) + bp)
        return jax.nn.sigmoid(logit)

    ps = score(_half(imf_r[...], pt[:, 1:2]), imlp_r[...])
    ns = score(_half(nmf_r[...], pt[:, 2:3]), nmlp_r[...])
    part = jnp.sum(jax.nn.softplus(ns - ps)) * (1.0 / _B)

    @pl.when(pl.program_id(0) == 0)
    def _():
        out_r[...] = jnp.zeros_like(out_r)

    out_r[...] += part


def _tc_loss(umf, imf, nmf, umlp, imlp, nmlp, par3,
             w1a, w1b, b1, w2, b2, w3, b3, wpmf, wpmlp, bp, *,
             interpret=False):
    bb = 2048
    nb = _B // bb

    def fixed(shape):
        return pl.BlockSpec(shape, lambda i: (0, 0))

    def batched(d):
        return pl.BlockSpec((bb, d), lambda i: (i, 0))

    return pl.pallas_call(
        _tc_body,
        grid=(nb,),
        in_specs=[
            batched(_DMLP), batched(_DMLP), batched(_DMLP),
            batched(_DMLP), batched(_DMLP), batched(_DMLP),
            pl.BlockSpec((3, bb), lambda i: (0, i)),
            fixed((_DMLP, _DMLP)), fixed((_DMLP, _DMLP)), fixed((1, _DMLP)),
            fixed((_DMLP, 64)), fixed((1, 64)),
            fixed((64, 32)), fixed((1, 32)),
            fixed((_DMF, 1)), fixed((32, 1)), fixed((1, 1)),
        ],
        out_specs=pl.BlockSpec((1, 1), lambda i: (0, 0)),
        out_shape=jax.ShapeDtypeStruct((1, 1), jnp.float32),
        compiler_params=pltpu.CompilerParams(
            dimension_semantics=("arbitrary",)),
        interpret=interpret,
    )(umf, imf, nmf, umlp, imlp, nmlp, par3,
      w1a, w1b, b1, w2, b2, w3, b3, wpmf, wpmlp, bp)


def _chunked(stack):
    nw = 32
    bpw = _B // nw
    return (stack.reshape(_NSETS, nw, bpw // _CH, _CH)
            .transpose(1, 0, 2, 3)
            .reshape(nw, _NSETS * (bpw // _CH), _CH))


def kernel(user, item, neg_item, mf_user, mf_item, mlp_user, mlp_item,
           W1, b1, W2, b2, W3, b3, Wp, bp):
    user = user.astype(jnp.int32)
    item = item.astype(jnp.int32)
    neg_item = neg_item.astype(jnp.int32)
    hu = (user >= _OFF).astype(jnp.int32)
    hi = (item >= _OFF).astype(jnp.int32)
    hn = (neg_item >= _OFF).astype(jnp.int32)
    idx_mlp = _chunked(jnp.stack([user, item, neg_item]))
    idx_mf = _chunked(jnp.stack([user - hu * _OFF, item - hi * _OFF,
                                 neg_item - hn * _OFF]))
    par3 = jnp.stack([hu, hi, hn]).astype(jnp.float32)

    umlp, imlp, nmlp = _make_gather(mlp_user.shape[0], mlp_item.shape[0])(
        idx_mlp, mlp_user, mlp_item)

    mf_user2, mf_item2 = _repack(mf_user.T, mf_item.T)
    umf, imf, nmf = _make_gather(mf_user2.shape[0], mf_item2.shape[0])(
        idx_mf, mf_user2, mf_item2)

    w1a = W1[:_DMLP]
    w1b = W1[_DMLP:]
    out = _tc_loss(
        umf, imf, nmf, umlp, imlp, nmlp, par3,
        w1a, w1b, b1.reshape(1, _DMLP), W2, b2.reshape(1, 64),
        W3, b3.reshape(1, 32), Wp[:_DMF], Wp[_DMF:], bp.reshape(1, 1))
    return out[0, 0]

# --- scband reference (transcript-rebuilt; emitter-appended) ---
"""Pipeline reference for scband-neu-mf-5634997092880 (READ-ONLY COPY).

The authoritative reference and input builder live on the scoring server;
editing this copy changes nothing except your own understanding.
"""

import jax, jax.numpy as jnp
import numpy as np

B = 16384
NU = 100000
NI = 100000
EMF = 64
EMLP = 128


def _xavier(k, shape):
    lim = float(np.sqrt(6.0 / (shape[0] + shape[1])))
    return jax.random.uniform(k, shape, jnp.float32, -lim, lim)


def setup_inputs(seed: int = 0) -> dict:
    key = jax.random.key(seed)
    ks = jax.random.split(key, 12)
    inp = {
        "user": jax.random.randint(ks[0], (B,), 0, NU, dtype=jnp.int64) if jax.config.jax_enable_x64 else jax.random.randint(ks[0], (B,), 0, NU, dtype=jnp.int32),
        "item": jax.random.randint(ks[1], (B,), 0, NI, dtype=jnp.int32),
        "neg_item": jax.random.randint(ks[2], (B,), 0, NI, dtype=jnp.int32),
        "mf_user": _xavier(ks[3], (NU, EMF)),
        "mf_item": _xavier(ks[4], (NI, EMF)),
        "mlp_user": _xavier(ks[5], (NU, EMLP)),
        "mlp_item": _xavier(ks[6], (NI, EMLP)),
        "W1": _xavier(ks[7], (EMLP * 2, EMLP)),
        "b1": jnp.zeros((EMLP,), jnp.float32),
        "W2": _xavier(ks[8], (EMLP, EMLP // 2)),
        "b2": jnp.zeros((EMLP // 2,), jnp.float32),
        "W3": _xavier(ks[9], (EMLP // 2, EMLP // 4)),
        "b3": jnp.zeros((EMLP // 4,), jnp.float32),
        "Wp": _xavier(ks[10], (EMF + EMLP // 4, 1)),
        "bp": jnp.zeros((1,), jnp.float32),
    }
    return inp


def reference(user, item, neg_item, mf_user, mf_item, mlp_user, mlp_item,
              W1, b1, W2, b2, W3, b3, Wp, bp):
    # is_train=True path of NeuMF.forward
    def mlp(v):
        h = jax.nn.relu(v @ W1 + b1)
        h = jax.nn.relu(h @ W2 + b2)
        h = jax.nn.relu(h @ W3 + b3)
        return h

    u_mf = jnp.take(mf_user, user, axis=0)
    u_mlp = jnp.take(mlp_user, user, axis=0)

    def score(it_idx):
        i_mf = jnp.take(mf_item, it_idx, axis=0)
        i_mlp = jnp.take(mlp_item, it_idx, axis=0)
        mf_part = u_mf * i_mf
        mlp_vec = jnp.concatenate([u_mlp, i_mlp], axis=-1)
        mlp_part = mlp(mlp_vec)
        pred_vec = jnp.concatenate([mf_part, mlp_part], axis=-1)
        return jax.nn.sigmoid(pred_vec @ Wp + bp).reshape(-1)

    pos_scores = score(item)
    neg_scores = score(neg_item)
    loss_pred = jnp.mean(jax.nn.softplus(neg_scores - pos_scores))
    return loss_pred

if __name__ == "__main__":
    import jax
    _d = setup_inputs()
    print(jax.jit(kernel)(*tuple(_d.values())))

</pallas_src>

<mosaic_0001>
#map = affine_map<(d0, d1) -> (0, 0, 0)>
#map1 = affine_map<(d0, d1) -> (0, 0)>
module attributes {stable_mosaic.version = 14 : i64} {
  func.func @gather(%arg0: i32, %arg1: i32, %arg2: memref<32x12x128xi32, #tpu.memory_space<hbm>>, %arg3: memref<53248x128xf32, #tpu.memory_space<hbm>>, %arg4: memref<53248x128xf32, #tpu.memory_space<hbm>>, %arg5: memref<16384x128xf32, #tpu.memory_space<hbm>>, %arg6: memref<16384x128xf32, #tpu.memory_space<hbm>>, %arg7: memref<16384x128xf32, #tpu.memory_space<hbm>>, %arg8: memref<12x128xi32, #tpu.memory_space<vmem>>, %arg9: memref<128x128xf32, #tpu.memory_space<vmem>>, %arg10: memref<128x128xf32, #tpu.memory_space<vmem>>, %arg11: memref<128x128xf32, #tpu.memory_space<vmem>>, %arg12: memref<128x128xf32, #tpu.memory_space<vmem>>, %arg13: memref<!tpu.dma_semaphore, #tpu.memory_space<semaphore_mem>>, %arg14: memref<!tpu.dma_semaphore, #tpu.memory_space<semaphore_mem>>) attributes {dimension_semantics = [#tpu.dimension_semantics<core_parallel>, #tpu.dimension_semantics<subcore_parallel>], iteration_bounds = array<i64: 2, 16>, scalar_prefetch = 0 : i64, scratch_operands = 7 : i64, tpu.core_type = #tpu.core_type<sc_vector_subcore>, window_params = [{transform_indices = #map}, {transform_indices = #map1}, {transform_indices = #map1}, {transform_indices = #map1}, {transform_indices = #map1}, {transform_indices = #map1}]} {
    %mul3A = arith.constant 2 : i32
    %mul3A_0 = arith.muli %arg1, %mul3A : i32
    %add3A = arith.addi %mul3A_0, %arg0 : i32
    %mul3A_1 = arith.constant 512 : i32
    %mul3A_2 = arith.muli %add3A, %mul3A_1 : i32
    "tpu.region"() ({
      %run_scoped3A = tpu.sem_alloc : memref<!tpu.dma_semaphore, #tpu.memory_space<semaphore_mem>>
      %dma_start3A_289 = arith.constant 0 : i32
      %dma_start3A_290 = arith.constant 0 : i32
      %dma_start3A_291 = tpu.memref_slice %arg2[%add3A, %dma_start3A_289, %dma_start3A_290] : memref<32x12x128xi32, #tpu.memory_space<hbm>> -> memref<1x12x128xi32, #tpu.memory_space<hbm>>
      %dma_start3A_292 = tpu.memref_squeeze %dma_start3A_291 : memref<1x12x128xi32, #tpu.memory_space<hbm>> -> memref<12x128xi32, #tpu.memory_space<hbm>>
      %dma_start3A_293 = arith.constant 0 : i32
      %dma_start3A_294 = arith.constant 0 : i32
      %dma_start3A_295 = tpu.memref_slice %arg2[%add3A, %dma_start3A_293, %dma_start3A_294] : memref<32x12x128xi32, #tpu.memory_space<hbm>> -> memref<1x12x128xi32, #tpu.memory_space<hbm>>
      %dma_start3A_296 = tpu.memref_squeeze %dma_start3A_295 : memref<1x12x128xi32, #tpu.memory_space<hbm>> -> memref<12x128xi32, #tpu.memory_space<hbm>>
      tpu.enqueue_dma source(%dma_start3A_296 : memref<12x128xi32, #tpu.memory_space<hbm>>) target(%arg8 : memref<12x128xi32, #tpu.memory_space<vmem>>) target_semaphore(%run_scoped3A : memref<!tpu.dma_semaphore, #tpu.memory_space<semaphore_mem>>)
      %dma_wait3A_297 = arith.constant 0 : i32
      %dma_wait3A_298 = arith.constant 0 : i32
      %dma_wait3A_299 = tpu.memref_slice %arg2[%add3A, %dma_wait3A_297, %dma_wait3A_298] : memref<32x12x128xi32, #tpu.memory_space<hbm>> -> memref<1x12x128xi32, #tpu.memory_space<hbm>>
      %dma_wait3A_300 = tpu.memref_squeeze %dma_wait3A_299 : memref<1x12x128xi32, #tpu.memory_space<hbm>> -> memref<12x128xi32, #tpu.memory_space<hbm>>
      %dma_wait3A_301 = arith.constant 0 : i32
      %dma_wait3A_302 = arith.constant 0 : i32
      %dma_wait3A_303 = tpu.memref_slice %arg2[%add3A, %dma_wait3A_301, %dma_wait3A_302] : memref<32x12x128xi32, #tpu.memory_space<hbm>> -> memref<1x12x128xi32, #tpu.memory_space<hbm>>
      %dma_wait3A_304 = tpu.memref_squeeze %dma_wait3A_303 : memref<1x12x128xi32, #tpu.memory_space<hbm>> -> memref<12x128xi32, #tpu.memory_space<hbm>>
      tpu.wait_dma2 semaphore(%run_scoped3A : memref<!tpu.dma_semaphore, #tpu.memory_space<semaphore_mem>>) src(%dma_wait3A_304 : memref<12x128xi32, #tpu.memory_space<hbm>>) dst(%arg8 : memref<12x128xi32, #tpu.memory_space<vmem>>)
      tpu.yield
    }) : () -> ()
    %dma_start3A = arith.constant 0 : i32
    %dma_start3A_3 = arith.constant 0 : i32
    %dma_start3A_4 = tpu.memref_slice %arg8[%dma_start3A, %dma_start3A_3] : memref<12x128xi32, #tpu.memory_space<vmem>> -> memref<1x128xi32, #tpu.memory_space<vmem>>
    %dma_start3A_5 = tpu.memref_squeeze %dma_start3A_4 : memref<1x128xi32, #tpu.memory_space<vmem>> -> memref<128xi32, #tpu.memory_space<vmem>>
    %dma_start3A_6 = arith.constant 0 : i32
    %dma_start3A_7 = arith.constant 0 : i32
    %dma_start3A_8 = tpu.memref_slice %arg3[%dma_start3A_6, %dma_start3A_7] : memref<53248x128xf32, #tpu.memory_space<hbm>> -> memref<53248x128xf32, #tpu.memory_space<hbm>>
    tpu.enqueue_indirect_dma source(%dma_start3A_8 : memref<53248x128xf32, #tpu.memory_space<hbm>>) target(%arg9 : memref<128x128xf32, #tpu.memory_space<vmem>>) offsets(%dma_start3A_5 : memref<128xi32, #tpu.memory_space<vmem>>) semaphore(%arg13 : memref<!tpu.dma_semaphore, #tpu.memory_space<semaphore_mem>>)
    %dma_start3A_9 = arith.constant 1 : i32
    %dma_start3A_10 = arith.constant 0 : i32
    %dma_start3A_11 = tpu.memref_slice %arg8[%dma_start3A_9, %dma_start3A_10] : memref<12x128xi32, #tpu.memory_space<vmem>> -> memref<1x128xi32, #tpu.memory_space<vmem>>
    %dma_start3A_12 = tpu.memref_squeeze %dma_start3A_11 : memref<1x128xi32, #tpu.memory_space<vmem>> -> memref<128xi32, #tpu.memory_space<vmem>>
    %dma_start3A_13 = arith.constant 0 : i32
    %dma_start3A_14 = arith.constant 0 : i32
    %dma_start3A_15 = tpu.memref_slice %arg3[%dma_start3A_13, %dma_start3A_14] : memref<53248x128xf32, #tpu.memory_space<hbm>> -> memref<53248x128xf32, #tpu.memory_space<hbm>>
    tpu.enqueue_indirect_dma source(%dma_start3A_15 : memref<53248x128xf32, #tpu.memory_space<hbm>>) target(%arg10 : memref<128x128xf32, #tpu.memory_space<vmem>>) offsets(%dma_start3A_12 : memref<128xi32, #tpu.memory_space<vmem>>) semaphore(%arg13 : memref<!tpu.dma_semaphore, #tpu.memory_space<semaphore_mem>>)
    %dma_wait3A = arith.constant 0 : i32
    %dma_wait3A_16 = arith.constant 0 : i32
    %dma_wait3A_17 = tpu.memref_slice %arg8[%dma_wait3A, %dma_wait3A_16] : memref<12x128xi32, #tpu.memory_space<vmem>> -> memref<1x128xi32, #tpu.memory_space<vmem>>
    %dma_wait3A_18 = tpu.memref_squeeze %dma_wait3A_17 : memref<1x128xi32, #tpu.memory_space<vmem>> -> memref<128xi32, #tpu.memory_space<vmem>>
    %dma_wait3A_19 = arith.constant 0 : i32
    %dma_wait3A_20 = arith.constant 0 : i32
    %dma_wait3A_21 = tpu.memref_slice %arg3[%dma_wait3A_19, %dma_wait3A_20] : memref<53248x128xf32, #tpu.memory_space<hbm>> -> memref<53248x128xf32, #tpu.memory_space<hbm>>
    tpu.wait_indirect_dma semaphore(%arg13 : memref<!tpu.dma_semaphore, #tpu.memory_space<semaphore_mem>>) src(%dma_wait3A_21 : memref<53248x128xf32, #tpu.memory_space<hbm>>) dst(%arg9 : memref<128x128xf32, #tpu.memory_space<vmem>>)
    %add3A_22 = arith.constant 0 : i32
    %add3A_23 = arith.addi %mul3A_2, %add3A_22 : i32
    %dma_start3A_24 = arith.constant 0 : i32
    %dma_start3A_25 = tpu.memref_slice %arg5[%add3A_23, %dma_start3A_24] : memref<16384x128xf32, #tpu.memory_space<hbm>> -> memref<128x128xf32, #tpu.memory_space<hbm>>
    %dma_start3A_26 = arith.constant 0 : i32
    %dma_start3A_27 = tpu.memref_slice %arg5[%add3A_23, %dma_start3A_26] : memref<16384x128xf32, #tpu.memory_space<hbm>> -> memref<128x128xf32, #tpu.memory_space<hbm>>
    tpu.enqueue_dma source(%arg9 : memref<128x128xf32, #tpu.memory_space<vmem>>) target(%dma_start3A_27 : memref<128x128xf32, #tpu.memory_space<hbm>>) target_semaphore(%arg14 : memref<!tpu.dma_semaphore, #tpu.memory_space<semaphore_mem>>)
    %dma_start3A_28 = arith.constant 2 : i32
    %dma_start3A_29 = arith.constant 0 : i32
    %dma_start3A_30 = tpu.memref_slice %arg8[%dma_start3A_28, %dma_start3A_29] : memref<12x128xi32, #tpu.memory_space<vmem>> -> memref<1x128xi32, #tpu.memory_space<vmem>>
    %dma_start3A_31 = tpu.memref_squeeze %dma_start3A_30 : memref<1x128xi32, #tpu.memory_space<vmem>> -> memref<128xi32, #tpu.memory_space<vmem>>
    %dma_start3A_32 = arith.constant 0 : i32
    %dma_start3A_33 = arith.constant 0 : i32
    %dma_start3A_34 = tpu.memref_slice %arg3[%dma_start3A_32, %dma_start3A_33] : memref<53248x128xf32, #tpu.memory_space<hbm>> -> memref<53248x128xf32, #tpu.memory_space<hbm>>
    tpu.enqueue_indirect_dma source(%dma_start3A_34 : memref<53248x128xf32, #tpu.memory_space<hbm>>) target(%arg11 : memref<128x128xf32, #tpu.memory_space<vmem>>) offsets(%dma_start3A_31 : memref<128xi32, #tpu.memory_space<vmem>>) semaphore(%arg13 : memref<!tpu.dma_semaphore, #tpu.memory_space<semaphore_mem>>)
    %dma_wait3A_35 = arith.constant 1 : i32
    %dma_wait3A_36 = arith.constant 0 : i32
    %dma_wait3A_37 = tpu.memref_slice %arg8[%dma_wait3A_35, %dma_wait3A_36] : memref<12x128xi32, #tpu.memory_space<vmem>> -> memref<1x128xi32, #tpu.memory_space<vmem>>
    %dma_wait3A_38 = tpu.memref_squeeze %dma_wait3A_37 : memref<1x128xi32, #tpu.memory_space<vmem>> -> memref<128xi32, #tpu.memory_space<vmem>>
    %dma_wait3A_39 = arith.constant 0 : i32
    %dma_wait3A_40 = arith.constant 0 : i32
    %dma_wait3A_41 = tpu.memref_slice %arg3[%dma_wait3A_39, %dma_wait3A_40] : memref<53248x128xf32, #tpu.memory_space<hbm>> -> memref<53248x128xf32, #tpu.memory_space<hbm>>
    tpu.wait_indirect_dma semaphore(%arg13 : memref<!tpu.dma_semaphore, #tpu.memory_space<semaphore_mem>>) src(%dma_wait3A_41 : memref<53248x128xf32, #tpu.memory_space<hbm>>) dst(%arg10 : memref<128x128xf32, #tpu.memory_space<vmem>>)
    %add3A_42 = arith.constant 128 : i32
    %add3A_43 = arith.addi %mul3A_2, %add3A_42 : i32
    %dma_start3A_44 = arith.constant 0 : i32
    %dma_start3A_45 = tpu.memref_slice %arg5[%add3A_43, %dma_start3A_44] : memref<16384x128xf32, #tpu.memory_space<hbm>> -> memref<128x128xf32, #tpu.memory_space<hbm>>
    %dma_start3A_46 = arith.constant 0 : i32
    %dma_start3A_47 = tpu.memref_slice %arg5[%add3A_43, %dma_start3A_46] : memref<16384x128xf32, #tpu.memory_space<hbm>> -> memref<128x128xf32, #tpu.memory_space<hbm>>
    tpu.enqueue_dma source(%arg10 : memref<128x128xf32, #tpu.memory_space<vmem>>) target(%dma_start3A_47 : memref<128x128xf32, #tpu.memory_space<hbm>>) target_semaphore(%arg14 : memref<!tpu.dma_semaphore, #tpu.memory_space<semaphore_mem>>)
    %dma_start3A_48 = arith.constant 3 : i32
    %dma_start3A_49 = arith.constant 0 : i32
    %dma_start3A_50 = tpu.memref_slice %arg8[%dma_start3A_48, %dma_start3A_49] : memref<12x128xi32, #tpu.memory_space<vmem>> -> memref<1x128xi32, #tpu.memory_space<vmem>>
    %dma_start3A_51 = tpu.memref_squeeze %dma_start3A_50 : memref<1x128xi32, #tpu.memory_space<vmem>> -> memref<128xi32, #tpu.memory_space<vmem>>
    %dma_start3A_52 = arith.constant 0 : i32
    %dma_start3A_53 = arith.constant 0 : i32
    %dma_start3A_54 = tpu.memref_slice %arg3[%dma_start3A_52, %dma_start3A_53] : memref<53248x128xf32, #tpu.memory_space<hbm>> -> memref<53248x128xf32, #tpu.memory_space<hbm>>
    tpu.enqueue_indirect_dma source(%dma_start3A_54 : memref<53248x128xf32, #tpu.memory_space<hbm>>) target(%arg12 : memref<128x128xf32, #tpu.memory_space<vmem>>) offsets(%dma_start3A_51 : memref<128xi32, #tpu.memory_space<vmem>>) semaphore(%arg13 : memref<!tpu.dma_semaphore, #tpu.memory_space<semaphore_mem>>)
    %dma_wait3A_55 = arith.constant 2 : i32
    %dma_wait3A_56 = arith.constant 0 : i32
    %dma_wait3A_57 = tpu.memref_slice %arg8[%dma_wait3A_55, %dma_wait3A_56] : memref<12x128xi32, #tpu.memory_space<vmem>> -> memref<1x128xi32, #tpu.memory_space<vmem>>
    %dma_wait3A_58 = tpu.memref_squeeze %dma_wait3A_57 : memref<1x128xi32, #tpu.memory_space<vmem>> -> memref<128xi32, #tpu.memory_space<vmem>>
    %dma_wait3A_59 = arith.constant 0 : i32
    %dma_wait3A_60 = arith.constant 0 : i32
    %dma_wait3A_61 = tpu.memref_slice %arg3[%dma_wait3A_59, %dma_wait3A_60] : memref<53248x128xf32, #tpu.memory_space<hbm>> -> memref<53248x128xf32, #tpu.memory_space<hbm>>
    tpu.wait_indirect_dma semaphore(%arg13 : memref<!tpu.dma_semaphore, #tpu.memory_space<semaphore_mem>>) src(%dma_wait3A_61 : memref<53248x128xf32, #tpu.memory_space<hbm>>) dst(%arg11 : memref<128x128xf32, #tpu.memory_space<vmem>>)
    %add3A_62 = arith.constant 256 : i32
    %add3A_63 = arith.addi %mul3A_2, %add3A_62 : i32
    %dma_start3A_64 = arith.constant 0 : i32
    %dma_start3A_65 = tpu.memref_slice %arg5[%add3A_63, %dma_start3A_64] : memref<16384x128xf32, #tpu.memory_space<hbm>> -> memref<128x128xf32, #tpu.memory_space<hbm>>
    %dma_start3A_66 = arith.constant 0 : i32
    %dma_start3A_67 = tpu.memref_slice %arg5[%add3A_63, %dma_start3A_66] : memref<16384x128xf32, #tpu.memory_space<hbm>> -> memref<128x128xf32, #tpu.memory_space<hbm>>
    tpu.enqueue_dma source(%arg11 : memref<128x128xf32, #tpu.memory_space<vmem>>) target(%dma_start3A_67 : memref<128x128xf32, #tpu.memory_space<hbm>>) target_semaphore(%arg14 : memref<!tpu.dma_semaphore, #tpu.memory_space<semaphore_mem>>)
    %dma_wait3A_68 = arith.constant 0 : i32
    %dma_wait3A_69 = tpu.memref_slice %arg5[%add3A_23, %dma_wait3A_68] : memref<16384x128xf32, #tpu.memory_space<hbm>> -> memref<128x128xf32, #tpu.memory_space<hbm>>
    %dma_wait3A_70 = arith.constant 0 : i32
    %dma_wait3A_71 = tpu.memref_slice %arg5[%add3A_23, %dma_wait3A_70] : memref<16384x128xf32, #tpu.memory_space<hbm>> -> memref<128x128xf32, #tpu.memory_space<hbm>>
    tpu.wait_dma2 semaphore(%arg14 : memref<!tpu.dma_semaphore, #tpu.memory_space<semaphore_mem>>) src(%arg9 : memref<128x128xf32, #tpu.memory_space<vmem>>) dst(%dma_wait3A_71 : memref<128x128xf32, #tpu.memory_space<hbm>>)
    %dma_start3A_72 = arith.constant 4 : i32
    %dma_start3A_73 = arith.constant 0 : i32
    %dma_start3A_74 = tpu.memref_slice %arg8[%dma_start3A_72, %dma_start3A_73] : memref<12x128xi32, #tpu.memory_space<vmem>> -> memref<1x128xi32, #tpu.memory_space<vmem>>
    %dma_start3A_75 = tpu.memref_squeeze %dma_start3A_74 : memref<1x128xi32, #tpu.memory_space<vmem>> -> memref<128xi32, #tpu.memory_space<vmem>>
    %dma_start3A_76 = arith.constant 0 : i32
    %dma_start3A_77 = arith.constant 0 : i32
    %dma_start3A_78 = tpu.memref_slice %arg4[%dma_start3A_76, %dma_start3A_77] : memref<53248x128xf32, #tpu.memory_space<hbm>> -> memref<53248x128xf32, #tpu.memory_space<hbm>>
    tpu.enqueue_indirect_dma source(%dma_start3A_78 : memref<53248x128xf32, #tpu.memory_space<hbm>>) target(%arg9 : memref<128x128xf32, #tpu.memory_space<vmem>>) offsets(%dma_start3A_75 : memref<128xi32, #tpu.memory_space<vmem>>) semaphore(%arg13 : memref<!tpu.dma_semaphore, #tpu.memory_space<semaphore_mem>>)
    %dma_wait3A_79 = arith.constant 3 : i32
    %dma_wait3A_80 = arith.constant 0 : i32
    %dma_wait3A_81 = tpu.memref_slice %arg8[%dma_wait3A_79, %dma_wait3A_80] : memref<12x128xi32, #tpu.memory_space<vmem>> -> memref<1x128xi32, #tpu.memory_space<vmem>>
    %dma_wait3A_82 = tpu.memref_squeeze %dma_wait3A_81 : memref<1x128xi32, #tpu.memory_space<vmem>> -> memref<128xi32, #tpu.memory_space<vmem>>
    %dma_wait3A_83 = arith.constant 0 : i32
    %dma_wait3A_84 = arith.constant 0 : i32
    %dma_wait3A_85 = tpu.memref_slice %arg3[%dma_wait3A_83, %dma_wait3A_84] : memref<53248x128xf32, #tpu.memory_space<hbm>> -> memref<53248x128xf32, #tpu.memory_space<hbm>>
    tpu.wait_indirect_dma semaphore(%arg13 : memref<!tpu.dma_semaphore, #tpu.memory_space<semaphore_mem>>) src(%dma_wait3A_85 : memref<53248x128xf32, #tpu.memory_space<hbm>>) dst(%arg12 : memref<128x128xf32, #tpu.memory_space<vmem>>)
    %add3A_86 = arith.constant 384 : i32
    %add3A_87 = arith.addi %mul3A_2, %add3A_86 : i32
    %dma_start3A_88 = arith.constant 0 : i32
    %dma_start3A_89 = tpu.memref_slice %arg5[%add3A_87, %dma_start3A_88] : memref<16384x128xf32, #tpu.memory_space<hbm>> -> memref<128x128xf32, #tpu.memory_space<hbm>>
    %dma_start3A_90 = arith.constant 0 : i32
    %dma_start3A_91 = tpu.memref_slice %arg5[%add3A_87, %dma_start3A_90] : memref<16384x128xf32, #tpu.memory_space<hbm>> -> memref<128x128xf32, #tpu.memory_space<hbm>>
    tpu.enqueue_dma source(%arg12 : memref<128x128xf32, #tpu.memory_space<vmem>>) target(%dma_start3A_91 : memref<128x128xf32, #tpu.memory_space<hbm>>) target_semaphore(%arg14 : memref<!tpu.dma_semaphore, #tpu.memory_space<semaphore_mem>>)
    %dma_wait3A_92 = arith.constant 0 : i32
    %dma_wait3A_93 = tpu.memref_slice %arg5[%add3A_43, %dma_wait3A_92] : memref<16384x128xf32, #tpu.memory_space<hbm>> -> memref<128x128xf32, #tpu.memory_space<hbm>>
    %dma_wait3A_94 = arith.constant 0 : i32
    %dma_wait3A_95 = tpu.memref_slice %arg5[%add3A_43, %dma_wait3A_94] : memref<16384x128xf32, #tpu.memory_space<hbm>> -> memref<128x128xf32, #tpu.memory_space<hbm>>
    tpu.wait_dma2 semaphore(%arg14 : memref<!tpu.dma_semaphore, #tpu.memory_space<semaphore_mem>>) src(%arg10 : memref<128x128xf32, #tpu.memory_space<vmem>>) dst(%dma_wait3A_95 : memref<128x128xf32, #tpu.memory_space<hbm>>)
    %dma_start3A_96 = arith.constant 5 : i32
    %dma_start3A_97 = arith.constant 0 : i32
    %dma_start3A_98 = tpu.memref_slice %arg8[%dma_start3A_96, %dma_start3A_97] : memref<12x128xi32, #tpu.memory_space<vmem>> -> memref<1x128xi32, #tpu.memory_space<vmem>>
    %dma_start3A_99 = tpu.memref_squeeze %dma_start3A_98 : memref<1x128xi32, #tpu.memory_space<vmem>> -> memref<128xi32, #tpu.memory_space<vmem>>
    %dma_start3A_100 = arith.constant 0 : i32
    %dma_start3A_101 = arith.constant 0 : i32
    %dma_start3A_102 = tpu.memref_slice %arg4[%dma_start3A_100, %dma_start3A_101] : memref<53248x128xf32, #tpu.memory_space<hbm>> -> memref<53248x128xf32, #tpu.memory_space<hbm>>
    tpu.enqueue_indirect_dma source(%dma_start3A_102 : memref<53248x128xf32, #tpu.memory_space<hbm>>) target(%arg10 : memref<128x128xf32, #tpu.memory_space<vmem>>) offsets(%dma_start3A_99 : memref<128xi32, #tpu.memory_space<vmem>>) semaphore(%arg13 : memref<!tpu.dma_semaphore, #tpu.memory_space<semaphore_mem>>)
    %dma_wait3A_103 = arith.constant 4 : i32
    %dma_wait3A_104 = arith.constant 0 : i32
    %dma_wait3A_105 = tpu.memref_slice %arg8[%dma_wait3A_103, %dma_wait3A_104] : memref<12x128xi32, #tpu.memory_space<vmem>> -> memref<1x128xi32, #tpu.memory_space<vmem>>
    %dma_wait3A_106 = tpu.memref_squeeze %dma_wait3A_105 : memref<1x128xi32, #tpu.memory_space<vmem>> -> memref<128xi32, #tpu.memory_space<vmem>>
    %dma_wait3A_107 = arith.constant 0 : i32
    %dma_wait3A_108 = arith.constant 0 : i32
    %dma_wait3A_109 = tpu.memref_slice %arg4[%dma_wait3A_107, %dma_wait3A_108] : memref<53248x128xf32, #tpu.memory_space<hbm>> -> memref<53248x128xf32, #tpu.memory_space<hbm>>
    tpu.wait_indirect_dma semaphore(%arg13 : memref<!tpu.dma_semaphore, #tpu.memory_space<semaphore_mem>>) src(%dma_wait3A_109 : memref<53248x128xf32, #tpu.memory_space<hbm>>) dst(%arg9 : memref<128x128xf32, #tpu.memory_space<vmem>>)
    %add3A_110 = arith.constant 0 : i32
    %add3A_111 = arith.addi %mul3A_2, %add3A_110 : i32
    %dma_start3A_112 = arith.constant 0 : i32
    %dma_start3A_113 = tpu.memref_slice %arg6[%add3A_111, %dma_start3A_112] : memref<16384x128xf32, #tpu.memory_space<hbm>> -> memref<128x128xf32, #tpu.memory_space<hbm>>
    %dma_start3A_114 = arith.constant 0 : i32
    %dma_start3A_115 = tpu.memref_slice %arg6[%add3A_111, %dma_start3A_114] : memref<16384x128xf32, #tpu.memory_space<hbm>> -> memref<128x128xf32, #tpu.memory_space<hbm>>
    tpu.enqueue_dma source(%arg9 : memref<128x128xf32, #tpu.memory_space<vmem>>) target(%dma_start3A_115 : memref<128x128xf32, #tpu.memory_space<hbm>>) target_semaphore(%arg14 : memref<!tpu.dma_semaphore, #tpu.memory_space<semaphore_mem>>)
    %dma_wait3A_116 = arith.constant 0 : i32
    %dma_wait3A_117 = tpu.memref_slice %arg5[%add3A_63, %dma_wait3A_116] : memref<16384x128xf32, #tpu.memory_space<hbm>> -> memref<128x128xf32, #tpu.memory_space<hbm>>
    %dma_wait3A_118 = arith.constant 0 : i32
    %dma_wait3A_119 = tpu.memref_slice %arg5[%add3A_63, %dma_wait3A_118] : memref<16384x128xf32, #tpu.memory_space<hbm>> -> memref<128x128xf32, #tpu.memory_space<hbm>>
    tpu.wait_dma2 semaphore(%arg14 : memref<!tpu.dma_semaphore, #tpu.memory_space<semaphore_mem>>) src(%arg11 : memref<128x128xf32, #tpu.memory_space<vmem>>) dst(%dma_wait3A_119 : memref<128x128xf32, #tpu.memory_space<hbm>>)
    %dma_start3A_120 = arith.constant 6 : i32
    %dma_start3A_121 = arith.constant 0 : i32
    %dma_start3A_122 = tpu.memref_slice %arg8[%dma_start3A_120, %dma_start3A_121] : memref<12x128xi32, #tpu.memory_space<vmem>> -> memref<1x128xi32, #tpu.memory_space<vmem>>
    %dma_start3A_123 = tpu.memref_squeeze %dma_start3A_122 : memref<1x128xi32, #tpu.memory_space<vmem>> -> memref<128xi32, #tpu.memory_space<vmem>>
    %dma_start3A_124 = arith.constant 0 : i32
    %dma_start3A_125 = arith.constant 0 : i32
    %dma_start3A_126 = tpu.memref_slice %arg4[%dma_start3A_124, %dma_start3A_125] : memref<53248x128xf32, #tpu.memory_space<hbm>> -> memref<53248x128xf32, #tpu.memory_space<hbm>>
    tpu.enqueue_indirect_dma source(%dma_start3A_126 : memref<53248x128xf32, #tpu.memory_space<hbm>>) target(%arg11 : memref<128x128xf32, #tpu.memory_space<vmem>>) offsets(%dma_start3A_123 : memref<128xi32, #tpu.memory_space<vmem>>) semaphore(%arg13 : memref<!tpu.dma_semaphore, #tpu.memory_space<semaphore_mem>>)
    %dma_wait3A_127 = arith.constant 5 : i32
    %dma_wait3A_128 = arith.constant 0 : i32
    %dma_wait3A_129 = tpu.memref_slice %arg8[%dma_wait3A_127, %dma_wait3A_128] : memref<12x128xi32, #tpu.memory_space<vmem>> -> memref<1x128xi32, #tpu.memory_space<vmem>>
    %dma_wait3A_130 = tpu.memref_squeeze %dma_wait3A_129 : memref<1x128xi32, #tpu.memory_space<vmem>> -> memref<128xi32, #tpu.memory_space<vmem>>
    %dma_wait3A_131 = arith.constant 0 : i32
    %dma_wait3A_132 = arith.constant 0 : i32
    %dma_wait3A_133 = tpu.memref_slice %arg4[%dma_wait3A_131, %dma_wait3A_132] : memref<53248x128xf32, #tpu.memory_space<hbm>> -> memref<53248x128xf32, #tpu.memory_space<hbm>>
    tpu.wait_indirect_dma semaphore(%arg13 : memref<!tpu.dma_semaphore, #tpu.memory_space<semaphore_mem>>) src(%dma_wait3A_133 : memref<53248x128xf32, #tpu.memory_space<hbm>>) dst(%arg10 : memref<128x128xf32, #tpu.memory_space<vmem>>)
    %add3A_134 = arith.constant 128 : i32
    %add3A_135 = arith.addi %mul3A_2, %add3A_134 : i32
    %dma_start3A_136 = arith.constant 0 : i32
    %dma_start3A_137 = tpu.memref_slice %arg6[%add3A_135, %dma_start3A_136] : memref<16384x128xf32, #tpu.memory_space<hbm>> -> memref<128x128xf32, #tpu.memory_space<hbm>>
    %dma_start3A_138 = arith.constant 0 : i32
    %dma_start3A_139 = tpu.memref_slice %arg6[%add3A_135, %dma_start3A_138] : memref<16384x128xf32, #tpu.memory_space<hbm>> -> memref<128x128xf32, #tpu.memory_space<hbm>>
    tpu.enqueue_dma source(%arg10 : memref<128x128xf32, #tpu.memory_space<vmem>>) target(%dma_start3A_139 : memref<128x128xf32, #tpu.memory_space<hbm>>) target_semaphore(%arg14 : memref<!tpu.dma_semaphore, #tpu.memory_space<semaphore_mem>>)
    %dma_wait3A_140 = arith.constant 0 : i32
    %dma_wait3A_141 = tpu.memref_slice %arg5[%add3A_87, %dma_wait3A_140] : memref<16384x128xf32, #tpu.memory_space<hbm>> -> memref<128x128xf32, #tpu.memory_space<hbm>>
    %dma_wait3A_142 = arith.constant 0 : i32
    %dma_wait3A_143 = tpu.memref_slice %arg5[%add3A_87, %dma_wait3A_142] : memref<16384x128xf32, #tpu.memory_space<hbm>> -> memref<128x128xf32, #tpu.memory_space<hbm>>
    tpu.wait_dma2 semaphore(%arg14 : memref<!tpu.dma_semaphore, #tpu.memory_space<semaphore_mem>>) src(%arg12 : memref<128x128xf32, #tpu.memory_space<vmem>>) dst(%dma_wait3A_143 : memref<128x128xf32, #tpu.memory_space<hbm>>)
    %dma_start3A_144 = arith.constant 7 : i32
    %dma_start3A_145 = arith.constant 0 : i32
    %dma_start3A_146 = tpu.memref_slice %arg8[%dma_start3A_144, %dma_start3A_145] : memref<12x128xi32, #tpu.memory_space<vmem>> -> memref<1x128xi32, #tpu.memory_space<vmem>>
    %dma_start3A_147 = tpu.memref_squeeze %dma_start3A_146 : memref<1x128xi32, #tpu.memory_space<vmem>> -> memref<128xi32, #tpu.memory_space<vmem>>
    %dma_start3A_148 = arith.constant 0 : i32
    %dma_start3A_149 = arith.constant 0 : i32
    %dma_start3A_150 = tpu.memref_slice %arg4[%dma_start3A_148, %dma_start3A_149] : memref<53248x128xf32, #tpu.memory_space<hbm>> -> memref<53248x128xf32, #tpu.memory_space<hbm>>
    tpu.enqueue_indirect_dma source(%dma_start3A_150 : memref<53248x128xf32, #tpu.memory_space<hbm>>) target(%arg12 : memref<128x128xf32, #tpu.memory_space<vmem>>) offsets(%dma_start3A_147 : memref<128xi32, #tpu.memory_space<vmem>>) semaphore(%arg13 : memref<!tpu.dma_semaphore, #tpu.memory_space<semaphore_mem>>)
    %dma_wait3A_151 = arith.constant 6 : i32
    %dma_wait3A_152 = arith.constant 0 : i32
    %dma_wait3A_153 = tpu.memref_slice %arg8[%dma_wait3A_151, %dma_wait3A_152] : memref<12x128xi32, #tpu.memory_space<vmem>> -> memref<1x128xi32, #tpu.memory_space<vmem>>
    %dma_wait3A_154 = tpu.memref_squeeze %dma_wait3A_153 : memref<1x128xi32, #tpu.memory_space<vmem>> -> memref<128xi32, #tpu.memory_space<vmem>>
    %dma_wait3A_155 = arith.constant 0 : i32
    %dma_wait3A_156 = arith.constant 0 : i32
    %dma_wait3A_157 = tpu.memref_slice %arg4[%dma_wait3A_155, %dma_wait3A_156] : memref<53248x128xf32, #tpu.memory_space<hbm>> -> memref<53248x128xf32, #tpu.memory_space<hbm>>
    tpu.wait_indirect_dma semaphore(%arg13 : memref<!tpu.dma_semaphore, #tpu.memory_space<semaphore_mem>>) src(%dma_wait3A_157 : memref<53248x128xf32, #tpu.memory_space<hbm>>) dst(%arg11 : memref<128x128xf32, #tpu.memory_space<vmem>>)
    %add3A_158 = arith.constant 256 : i32
    %add3A_159 = arith.addi %mul3A_2, %add3A_158 : i32
    %dma_start3A_160 = arith.constant 0 : i32
    %dma_start3A_161 = tpu.memref_slice %arg6[%add3A_159, %dma_start3A_160] : memref<16384x128xf32, #tpu.memory_space<hbm>> -> memref<128x128xf32, #tpu.memory_space<hbm>>
    %dma_start3A_162 = arith.constant 0 : i32
    %dma_start3A_163 = tpu.memref_slice %arg6[%add3A_159, %dma_start3A_162] : memref<16384x128xf32, #tpu.memory_space<hbm>> -> memref<128x128xf32, #tpu.memory_space<hbm>>
    tpu.enqueue_dma source(%arg11 : memref<128x128xf32, #tpu.memory_space<vmem>>) target(%dma_start3A_163 : memref<128x128xf32, #tpu.memory_space<hbm>>) target_semaphore(%arg14 : memref<!tpu.dma_semaphore, #tpu.memory_space<semaphore_mem>>)
    %dma_wait3A_164 = arith.constant 0 : i32
    %dma_wait3A_165 = tpu.memref_slice %arg6[%add3A_111, %dma_wait3A_164] : memref<16384x128xf32, #tpu.memory_space<hbm>> -> memref<128x128xf32, #tpu.memory_space<hbm>>
    %dma_wait3A_166 = arith.constant 0 : i32
    %dma_wait3A_167 = tpu.memref_slice %arg6[%add3A_111, %dma_wait3A_166] : memref<16384x128xf32, #tpu.memory_space<hbm>> -> memref<128x128xf32, #tpu.memory_space<hbm>>
    tpu.wait_dma2 semaphore(%arg14 : memref<!tpu.dma_semaphore, #tpu.memory_space<semaphore_mem>>) src(%arg9 : memref<128x128xf32, #tpu.memory_space<vmem>>) dst(%dma_wait3A_167 : memref<128x128xf32, #tpu.memory_space<hbm>>)
    %dma_start3A_168 = arith.constant 8 : i32
    %dma_start3A_169 = arith.constant 0 : i32
    %dma_start3A_170 = tpu.memref_slice %arg8[%dma_start3A_168, %dma_start3A_169] : memref<12x128xi32, #tpu.memory_space<vmem>> -> memref<1x128xi32, #tpu.memory_space<vmem>>
    %dma_start3A_171 = tpu.memref_squeeze %dma_start3A_170 : memref<1x128xi32, #tpu.memory_space<vmem>> -> memref<128xi32, #tpu.memory_space<vmem>>
    %dma_start3A_172 = arith.constant 0 : i32
    %dma_start3A_173 = arith.constant 0 : i32
    %dma_start3A_174 = tpu.memref_slice %arg4[%dma_start3A_172, %dma_start3A_173] : memref<53248x128xf32, #tpu.memory_space<hbm>> -> memref<53248x128xf32, #tpu.memory_space<hbm>>
    tpu.enqueue_indirect_dma source(%dma_start3A_174 : memref<53248x128xf32, #tpu.memory_space<hbm>>) target(%arg9 : memref<128x128xf32, #tpu.memory_space<vmem>>) offsets(%dma_start3A_171 : memref<128xi32, #tpu.memory_space<vmem>>) semaphore(%arg13 : memref<!tpu.dma_semaphore, #tpu.memory_space<semaphore_mem>>)
    %dma_wait3A_175 = arith.constant 7 : i32
    %dma_wait3A_176 = arith.constant 0 : i32
    %dma_wait3A_177 = tpu.memref_slice %arg8[%dma_wait3A_175, %dma_wait3A_176] : memref<12x128xi32, #tpu.memory_space<vmem>> -> memref<1x128xi32, #tpu.memory_space<vmem>>
    %dma_wait3A_178 = tpu.memref_squeeze %dma_wait3A_177 : memref<1x128xi32, #tpu.memory_space<vmem>> -> memref<128xi32, #tpu.memory_space<vmem>>
    %dma_wait3A_179 = arith.constant 0 : i32
    %dma_wait3A_180 = arith.constant 0 : i32
    %dma_wait3A_181 = tpu.memref_slice %arg4[%dma_wait3A_179, %dma_wait3A_180] : memref<53248x128xf32, #tpu.memory_space<hbm>> -> memref<53248x128xf32, #tpu.memory_space<hbm>>
    tpu.wait_indirect_dma semaphore(%arg13 : memref<!tpu.dma_semaphore, #tpu.memory_space<semaphore_mem>>) src(%dma_wait3A_181 : memref<53248x128xf32, #tpu.memory_space<hbm>>) dst(%arg12 : memref<128x128xf32, #tpu.memory_space<vmem>>)
    %add3A_182 = arith.constant 384 : i32
    %add3A_183 = arith.addi %mul3A_2, %add3A_182 : i32
    %dma_start3A_184 = arith.constant 0 : i32
    %dma_start3A_185 = tpu.memref_slice %arg6[%add3A_183, %dma_start3A_184] : memref<16384x128xf32, #tpu.memory_space<hbm>> -> memref<128x128xf32, #tpu.memory_space<hbm>>
    %dma_start3A_186 = arith.constant 0 : i32
    %dma_start3A_187 = tpu.memref_slice %arg6[%add3A_183, %dma_start3A_186] : memref<16384x128xf32, #tpu.memory_space<hbm>> -> memref<128x128xf32, #tpu.memory_space<hbm>>
    tpu.enqueue_dma source(%arg12 : memref<128x128xf32, #tpu.memory_space<vmem>>) target(%dma_start3A_187 : memref<128x128xf32, #tpu.memory_space<hbm>>) target_semaphore(%arg14 : memref<!tpu.dma_semaphore, #tpu.memory_space<semaphore_mem>>)
    %dma_wait3A_188 = arith.constant 0 : i32
    %dma_wait3A_189 = tpu.memref_slice %arg6[%add3A_135, %dma_wait3A_188] : memref<16384x128xf32, #tpu.memory_space<hbm>> -> memref<128x128xf32, #tpu.memory_space<hbm>>
    %dma_wait3A_190 = arith.constant 0 : i32
    %dma_wait3A_191 = tpu.memref_slice %arg6[%add3A_135, %dma_wait3A_190] : memref<16384x128xf32, #tpu.memory_space<hbm>> -> memref<128x128xf32, #tpu.memory_space<hbm>>
    tpu.wait_dma2 semaphore(%arg14 : memref<!tpu.dma_semaphore, #tpu.memory_space<semaphore_mem>>) src(%arg10 : memref<128x128xf32, #tpu.memory_space<vmem>>) dst(%dma_wait3A_191 : memref<128x128xf32, #tpu.memory_space<hbm>>)
    %dma_start3A_192 = arith.constant 9 : i32
    %dma_start3A_193 = arith.constant 0 : i32
    %dma_start3A_194 = tpu.memref_slice %arg8[%dma_start3A_192, %dma_start3A_193] : memref<12x128xi32, #tpu.memory_space<vmem>> -> memref<1x128xi32, #tpu.memory_space<vmem>>
    %dma_start3A_195 = tpu.memref_squeeze %dma_start3A_194 : memref<1x128xi32, #tpu.memory_space<vmem>> -> memref<128xi32, #tpu.memory_space<vmem>>
    %dma_start3A_196 = arith.constant 0 : i32
    %dma_start3A_197 = arith.constant 0 : i32
    %dma_start3A_198 = tpu.memref_slice %arg4[%dma_start3A_196, %dma_start3A_197] : memref<53248x128xf32, #tpu.memory_space<hbm>> -> memref<53248x128xf32, #tpu.memory_space<hbm>>
    tpu.enqueue_indirect_dma source(%dma_start3A_198 : memref<53248x128xf32, #tpu.memory_space<hbm>>) target(%arg10 : memref<128x128xf32, #tpu.memory_space<vmem>>) offsets(%dma_start3A_195 : memref<128xi32, #tpu.memory_space<vmem>>) semaphore(%arg13 : memref<!tpu.dma_semaphore, #tpu.memory_space<semaphore_mem>>)
    %dma_wait3A_199 = arith.constant 8 : i32
    %dma_wait3A_200 = arith.constant 0 : i32
    %dma_wait3A_201 = tpu.memref_slice %arg8[%dma_wait3A_199, %dma_wait3A_200] : memref<12x128xi32, #tpu.memory_space<vmem>> -> memref<1x128xi32, #tpu.memory_space<vmem>>
    %dma_wait3A_202 = tpu.memref_squeeze %dma_wait3A_201 : memref<1x128xi32, #tpu.memory_space<vmem>> -> memref<128xi32, #tpu.memory_space<vmem>>
    %dma_wait3A_203 = arith.constant 0 : i32
    %dma_wait3A_204 = arith.constant 0 : i32
    %dma_wait3A_205 = tpu.memref_slice %arg4[%dma_wait3A_203, %dma_wait3A_204] : memref<53248x128xf32, #tpu.memory_space<hbm>> -> memref<53248x128xf32, #tpu.memory_space<hbm>>
    tpu.wait_indirect_dma semaphore(%arg13 : memref<!tpu.dma_semaphore, #tpu.memory_space<semaphore_mem>>) src(%dma_wait3A_205 : memref<53248x128xf32, #tpu.memory_space<hbm>>) dst(%arg9 : memref<128x128xf32, #tpu.memory_space<vmem>>)
    %add3A_206 = arith.constant 0 : i32
    %add3A_207 = arith.addi %mul3A_2, %add3A_206 : i32
    %dma_start3A_208 = arith.constant 0 : i32
    %dma_start3A_209 = tpu.memref_slice %arg7[%add3A_207, %dma_start3A_208] : memref<16384x128xf32, #tpu.memory_space<hbm>> -> memref<128x128xf32, #tpu.memory_space<hbm>>
    %dma_start3A_210 = arith.constant 0 : i32
    %dma_start3A_211 = tpu.memref_slice %arg7[%add3A_207, %dma_start3A_210] : memref<16384x128xf32, #tpu.memory_space<hbm>> -> memref<128x128xf32, #tpu.memory_space<hbm>>
    tpu.enqueue_dma source(%arg9 : memref<128x128xf32, #tpu.memory_space<vmem>>) target(%dma_start3A_211 : memref<128x128xf32, #tpu.memory_space<hbm>>) target_semaphore(%arg14 : memref<!tpu.dma_semaphore, #tpu.memory_space<semaphore_mem>>)
    %dma_wait3A_212 = arith.constant 0 : i32
    %dma_wait3A_213 = tpu.memref_slice %arg6[%add3A_159, %dma_wait3A_212] : memref<16384x128xf32, #tpu.memory_space<hbm>> -> memref<128x128xf32, #tpu.memory_space<hbm>>
    %dma_wait3A_214 = arith.constant 0 : i32
    %dma_wait3A_215 = tpu.memref_slice %arg6[%add3A_159, %dma_wait3A_214] : memref<16384x128xf32, #tpu.memory_space<hbm>> -> memref<128x128xf32, #tpu.memory_space<hbm>>
    tpu.wait_dma2 semaphore(%arg14 : memref<!tpu.dma_semaphore, #tpu.memory_space<semaphore_mem>>) src(%arg11 : memref<128x128xf32, #tpu.memory_space<vmem>>) dst(%dma_wait3A_215 : memref<128x128xf32, #tpu.memory_space<hbm>>)
    %dma_start3A_216 = arith.constant 10 : i32
    %dma_start3A_217 = arith.constant 0 : i32
    %dma_start3A_218 = tpu.memref_slice %arg8[%dma_start3A_216, %dma_start3A_217] : memref<12x128xi32, #tpu.memory_space<vmem>> -> memref<1x128xi32, #tpu.memory_space<vmem>>
    %dma_start3A_219 = tpu.memref_squeeze %dma_start3A_218 : memref<1x128xi32, #tpu.memory_space<vmem>> -> memref<128xi32, #tpu.memory_space<vmem>>
    %dma_start3A_220 = arith.constant 0 : i32
    %dma_start3A_221 = arith.constant 0 : i32
    %dma_start3A_222 = tpu.memref_slice %arg4[%dma_start3A_220, %dma_start3A_221] : memref<53248x128xf32, #tpu.memory_space<hbm>> -> memref<53248x128xf32, #tpu.memory_space<hbm>>
    tpu.enqueue_indirect_dma source(%dma_start3A_222 : memref<53248x128xf32, #tpu.memory_space<hbm>>) target(%arg11 : memref<128x128xf32, #tpu.memory_space<vmem>>) offsets(%dma_start3A_219 : memref<128xi32, #tpu.memory_space<vmem>>) semaphore(%arg13 : memref<!tpu.dma_semaphore, #tpu.memory_space<semaphore_mem>>)
    %dma_wait3A_223 = arith.constant 9 : i32
    %dma_wait3A_224 = arith.constant 0 : i32
    %dma_wait3A_225 = tpu.memref_slice %arg8[%dma_wait3A_223, %dma_wait3A_224] : memref<12x128xi32, #tpu.memory_space<vmem>> -> memref<1x128xi32, #tpu.memory_space<vmem>>
    %dma_wait3A_226 = tpu.memref_squeeze %dma_wait3A_225 : memref<1x128xi32, #tpu.memory_space<vmem>> -> memref<128xi32, #tpu.memory_space<vmem>>
    %dma_wait3A_227 = arith.constant 0 : i32
    %dma_wait3A_228 = arith.constant 0 : i32
    %dma_wait3A_229 = tpu.memref_slice %arg4[%dma_wait3A_227, %dma_wait3A_228] : memref<53248x128xf32, #tpu.memory_space<hbm>> -> memref<53248x128xf32, #tpu.memory_space<hbm>>
    tpu.wait_indirect_dma semaphore(%arg13 : memref<!tpu.dma_semaphore, #tpu.memory_space<semaphore_mem>>) src(%dma_wait3A_229 : memref<53248x128xf32, #tpu.memory_space<hbm>>) dst(%arg10 : memref<128x128xf32, #tpu.memory_space<vmem>>)
    %add3A_230 = arith.constant 128 : i32
    %add3A_231 = arith.addi %mul3A_2, %add3A_230 : i32
    %dma_start3A_232 = arith.constant 0 : i32
    %dma_start3A_233 = tpu.memref_slice %arg7[%add3A_231, %dma_start3A_232] : memref<16384x128xf32, #tpu.memory_space<hbm>> -> memref<128x128xf32, #tpu.memory_space<hbm>>
    %dma_start3A_234 = arith.constant 0 : i32
    %dma_start3A_235 = tpu.memref_slice %arg7[%add3A_231, %dma_start3A_234] : memref<16384x128xf32, #tpu.memory_space<hbm>> -> memref<128x128xf32, #tpu.memory_space<hbm>>
    tpu.enqueue_dma source(%arg10 : memref<128x128xf32, #tpu.memory_space<vmem>>) target(%dma_start3A_235 : memref<128x128xf32, #tpu.memory_space<hbm>>) target_semaphore(%arg14 : memref<!tpu.dma_semaphore, #tpu.memory_space<semaphore_mem>>)
    %dma_wait3A_236 = arith.constant 0 : i32
    %dma_wait3A_237 = tpu.memref_slice %arg6[%add3A_183, %dma_wait3A_236] : memref<16384x128xf32, #tpu.memory_space<hbm>> -> memref<128x128xf32, #tpu.memory_space<hbm>>
    %dma_wait3A_238 = arith.constant 0 : i32
    %dma_wait3A_239 = tpu.memref_slice %arg6[%add3A_183, %dma_wait3A_238] : memref<16384x128xf32, #tpu.memory_space<hbm>> -> memref<128x128xf32, #tpu.memory_space<hbm>>
    tpu.wait_dma2 semaphore(%arg14 : memref<!tpu.dma_semaphore, #tpu.memory_space<semaphore_mem>>) src(%arg12 : memref<128x128xf32, #tpu.memory_space<vmem>>) dst(%dma_wait3A_239 : memref<128x128xf32, #tpu.memory_space<hbm>>)
    %dma_start3A_240 = arith.constant 11 : i32
    %dma_start3A_241 = arith.constant 0 : i32
    %dma_start3A_242 = tpu.memref_slice %arg8[%dma_start3A_240, %dma_start3A_241] : memref<12x128xi32, #tpu.memory_space<vmem>> -> memref<1x128xi32, #tpu.memory_space<vmem>>
    %dma_start3A_243 = tpu.memref_squeeze %dma_start3A_242 : memref<1x128xi32, #tpu.memory_space<vmem>> -> memref<128xi32, #tpu.memory_space<vmem>>
    %dma_start3A_244 = arith.constant 0 : i32
    %dma_start3A_245 = arith.constant 0 : i32
    %dma_start3A_246 = tpu.memref_slice %arg4[%dma_start3A_244, %dma_start3A_245] : memref<53248x128xf32, #tpu.memory_space<hbm>> -> memref<53248x128xf32, #tpu.memory_space<hbm>>
    tpu.enqueue_indirect_dma source(%dma_start3A_246 : memref<53248x128xf32, #tpu.memory_space<hbm>>) target(%arg12 : memref<128x128xf32, #tpu.memory_space<vmem>>) offsets(%dma_start3A_243 : memref<128xi32, #tpu.memory_space<vmem>>) semaphore(%arg13 : memref<!tpu.dma_semaphore, #tpu.memory_space<semaphore_mem>>)
    %dma_wait3A_247 = arith.constant 10 : i32
    %dma_wait3A_248 = arith.constant 0 : i32
    %dma_wait3A_249 = tpu.memref_slice %arg8[%dma_wait3A_247, %dma_wait3A_248] : memref<12x128xi32, #tpu.memory_space<vmem>> -> memref<1x128xi32, #tpu.memory_space<vmem>>
    %dma_wait3A_250 = tpu.memref_squeeze %dma_wait3A_249 : memref<1x128xi32, #tpu.memory_space<vmem>> -> memref<128xi32, #tpu.memory_space<vmem>>
    %dma_wait3A_251 = arith.constant 0 : i32
    %dma_wait3A_252 = arith.constant 0 : i32
    %dma_wait3A_253 = tpu.memref_slice %arg4[%dma_wait3A_251, %dma_wait3A_252] : memref<53248x128xf32, #tpu.memory_space<hbm>> -> memref<53248x128xf32, #tpu.memory_space<hbm>>
    tpu.wait_indirect_dma semaphore(%arg13 : memref<!tpu.dma_semaphore, #tpu.memory_space<semaphore_mem>>) src(%dma_wait3A_253 : memref<53248x128xf32, #tpu.memory_space<hbm>>) dst(%arg11 : memref<128x128xf32, #tpu.memory_space<vmem>>)
    %add3A_254 = arith.constant 256 : i32
    %add3A_255 = arith.addi %mul3A_2, %add3A_254 : i32
    %dma_start3A_256 = arith.constant 0 : i32
    %dma_start3A_257 = tpu.memref_slice %arg7[%add3A_255, %dma_start3A_256] : memref<16384x128xf32, #tpu.memory_space<hbm>> -> memref<128x128xf32, #tpu.memory_space<hbm>>
    %dma_start3A_258 = arith.constant 0 : i32
    %dma_start3A_259 = tpu.memref_slice %arg7[%add3A_255, %dma_start3A_258] : memref<16384x128xf32, #tpu.memory_space<hbm>> -> memref<128x128xf32, #tpu.memory_space<hbm>>
    tpu.enqueue_dma source(%arg11 : memref<128x128xf32, #tpu.memory_space<vmem>>) target(%dma_start3A_259 : memref<128x128xf32, #tpu.memory_space<hbm>>) target_semaphore(%arg14 : memref<!tpu.dma_semaphore, #tpu.memory_space<semaphore_mem>>)
    %dma_wait3A_260 = arith.constant 11 : i32
    %dma_wait3A_261 = arith.constant 0 : i32
    %dma_wait3A_262 = tpu.memref_slice %arg8[%dma_wait3A_260, %dma_wait3A_261] : memref<12x128xi32, #tpu.memory_space<vmem>> -> memref<1x128xi32, #tpu.memory_space<vmem>>
    %dma_wait3A_263 = tpu.memref_squeeze %dma_wait3A_262 : memref<1x128xi32, #tpu.memory_space<vmem>> -> memref<128xi32, #tpu.memory_space<vmem>>
    %dma_wait3A_264 = arith.constant 0 : i32
    %dma_wait3A_265 = arith.constant 0 : i32
    %dma_wait3A_266 = tpu.memref_slice %arg4[%dma_wait3A_264, %dma_wait3A_265] : memref<53248x128xf32, #tpu.memory_space<hbm>> -> memref<53248x128xf32, #tpu.memory_space<hbm>>
    tpu.wait_indirect_dma semaphore(%arg13 : memref<!tpu.dma_semaphore, #tpu.memory_space<semaphore_mem>>) src(%dma_wait3A_266 : memref<53248x128xf32, #tpu.memory_space<hbm>>) dst(%arg12 : memref<128x128xf32, #tpu.memory_space<vmem>>)
    %add3A_267 = arith.constant 384 : i32
    %add3A_268 = arith.addi %mul3A_2, %add3A_267 : i32
    %dma_start3A_269 = arith.constant 0 : i32
    %dma_start3A_270 = tpu.memref_slice %arg7[%add3A_268, %dma_start3A_269] : memref<16384x128xf32, #tpu.memory_space<hbm>> -> memref<128x128xf32, #tpu.memory_space<hbm>>
    %dma_start3A_271 = arith.constant 0 : i32
    %dma_start3A_272 = tpu.memref_slice %arg7[%add3A_268, %dma_start3A_271] : memref<16384x128xf32, #tpu.memory_space<hbm>> -> memref<128x128xf32, #tpu.memory_space<hbm>>
    tpu.enqueue_dma source(%arg12 : memref<128x128xf32, #tpu.memory_space<vmem>>) target(%dma_start3A_272 : memref<128x128xf32, #tpu.memory_space<hbm>>) target_semaphore(%arg14 : memref<!tpu.dma_semaphore, #tpu.memory_space<semaphore_mem>>)
    %dma_wait3A_273 = arith.constant 0 : i32
    %dma_wait3A_274 = tpu.memref_slice %arg7[%add3A_207, %dma_wait3A_273] : memref<16384x128xf32, #tpu.memory_space<hbm>> -> memref<128x128xf32, #tpu.memory_space<hbm>>
    %dma_wait3A_275 = arith.constant 0 : i32
    %dma_wait3A_276 = tpu.memref_slice %arg7[%add3A_207, %dma_wait3A_275] : memref<16384x128xf32, #tpu.memory_space<hbm>> -> memref<128x128xf32, #tpu.memory_space<hbm>>
    tpu.wait_dma2 semaphore(%arg14 : memref<!tpu.dma_semaphore, #tpu.memory_space<semaphore_mem>>) src(%arg9 : memref<128x128xf32, #tpu.memory_space<vmem>>) dst(%dma_wait3A_276 : memref<128x128xf32, #tpu.memory_space<hbm>>)
    %dma_wait3A_277 = arith.constant 0 : i32
    %dma_wait3A_278 = tpu.memref_slice %arg7[%add3A_231, %dma_wait3A_277] : memref<16384x128xf32, #tpu.memory_space<hbm>> -> memref<128x128xf32, #tpu.memory_space<hbm>>
    %dma_wait3A_279 = arith.constant 0 : i32
    %dma_wait3A_280 = tpu.memref_slice %arg7[%add3A_231, %dma_wait3A_279] : memref<16384x128xf32, #tpu.memory_space<hbm>> -> memref<128x128xf32, #tpu.memory_space<hbm>>
    tpu.wait_dma2 semaphore(%arg14 : memref<!tpu.dma_semaphore, #tpu.memory_space<semaphore_mem>>) src(%arg10 : memref<128x128xf32, #tpu.memory_space<vmem>>) dst(%dma_wait3A_280 : memref<128x128xf32, #tpu.memory_space<hbm>>)
    %dma_wait3A_281 = arith.constant 0 : i32
    %dma_wait3A_282 = tpu.memref_slice %arg7[%add3A_255, %dma_wait3A_281] : memref<16384x128xf32, #tpu.memory_space<hbm>> -> memref<128x128xf32, #tpu.memory_space<hbm>>
    %dma_wait3A_283 = arith.constant 0 : i32
    %dma_wait3A_284 = tpu.memref_slice %arg7[%add3A_255, %dma_wait3A_283] : memref<16384x128xf32, #tpu.memory_space<hbm>> -> memref<128x128xf32, #tpu.memory_space<hbm>>
    tpu.wait_dma2 semaphore(%arg14 : memref<!tpu.dma_semaphore, #tpu.memory_space<semaphore_mem>>) src(%arg11 : memref<128x128xf32, #tpu.memory_space<vmem>>) dst(%dma_wait3A_284 : memref<128x128xf32, #tpu.memory_space<hbm>>)
    %dma_wait3A_285 = arith.constant 0 : i32
    %dma_wait3A_286 = tpu.memref_slice %arg7[%add3A_268, %dma_wait3A_285] : memref<16384x128xf32, #tpu.memory_space<hbm>> -> memref<128x128xf32, #tpu.memory_space<hbm>>
    %dma_wait3A_287 = arith.constant 0 : i32
    %dma_wait3A_288 = tpu.memref_slice %arg7[%add3A_268, %dma_wait3A_287] : memref<16384x128xf32, #tpu.memory_space<hbm>> -> memref<128x128xf32, #tpu.memory_space<hbm>>
    tpu.wait_dma2 semaphore(%arg14 : memref<!tpu.dma_semaphore, #tpu.memory_space<semaphore_mem>>) src(%arg12 : memref<128x128xf32, #tpu.memory_space<vmem>>) dst(%dma_wait3A_288 : memref<128x128xf32, #tpu.memory_space<hbm>>)
    return
  }
}

#map = affine_map<(d0, d1) -> (0, 0, 0)>
#map1 = affine_map<(d0, d1) -> (0, 0)>
module attributes {stable_mosaic.version = 14 : i64} {
  func.func @gather(%arg0: i32, %arg1: i32, %arg2: memref<32x12x128xi32, #tpu.memory_space<hbm>>, %arg3: memref<100000x128xf32, #tpu.memory_space<hbm>>, %arg4: memref<100000x128xf32, #tpu.memory_space<hbm>>, %arg5: memref<16384x128xf32, #tpu.memory_space<hbm>>, %arg6: memref<16384x128xf32, #tpu.memory_space<hbm>>, %arg7: memref<16384x128xf32, #tpu.memory_space<hbm>>, %arg8: memref<12x128xi32, #tpu.memory_space<vmem>>, %arg9: memref<128x128xf32, #tpu.memory_space<vmem>>, %arg10: memref<128x128xf32, #tpu.memory_space<vmem>>, %arg11: memref<128x128xf32, #tpu.memory_space<vmem>>, %arg12: memref<128x128xf32, #tpu.memory_space<vmem>>, %arg13: memref<!tpu.dma_semaphore, #tpu.memory_space<semaphore_mem>>, %arg14: memref<!tpu.dma_semaphore, #tpu.memory_space<semaphore_mem>>) attributes {dimension_semantics = [#tpu.dimension_semantics<core_parallel>, #tpu.dimension_semantics<subcore_parallel>], iteration_bounds = array<i64: 2, 16>, scalar_prefetch = 0 : i64, scratch_operands = 7 : i64, tpu.core_type = #tpu.core_type<sc_vector_subcore>, window_params = [{transform_indices = #map}, {transform_indices = #map1}, {transform_indices = #map1}, {transform_indices = #map1}, {transform_indices = #map1}, {transform_indices = #map1}]} {
    %mul3A = arith.constant 2 : i32
    %mul3A_0 = arith.muli %arg1, %mul3A : i32
    %add3A = arith.addi %mul3A_0, %arg0 : i32
    %mul3A_1 = arith.constant 512 : i32
    %mul3A_2 = arith.muli %add3A, %mul3A_1 : i32
    "tpu.region"() ({
      %run_scoped3A = tpu.sem_alloc : memref<!tpu.dma_semaphore, #tpu.memory_space<semaphore_mem>>
      %dma_start3A_289 = arith.constant 0 : i32
      %dma_start3A_290 = arith.constant 0 : i32
      %dma_start3A_291 = tpu.memref_slice %arg2[%add3A, %dma_start3A_289, %dma_start3A_290] : memref<32x12x128xi32, #tpu.memory_space<hbm>> -> memref<1x12x128xi32, #tpu.memory_space<hbm>>
      %dma_start3A_292 = tpu.memref_squeeze %dma_start3A_291 : memref<1x12x128xi32, #tpu.memory_space<hbm>> -> memref<12x128xi32, #tpu.memory_space<hbm>>
      %dma_start3A_293 = arith.constant 0 : i32
      %dma_start3A_294 = arith.constant 0 : i32
      %dma_start3A_295 = tpu.memref_slice %arg2[%add3A, %dma_start3A_293, %dma_start3A_294] : memref<32x12x128xi32, #tpu.memory_space<hbm>> -> memref<1x12x128xi32, #tpu.memory_space<hbm>>
      %dma_start3A_296 = tpu.memref_squeeze %dma_start3A_295 : memref<1x12x128xi32, #tpu.memory_space<hbm>> -> memref<12x128xi32, #tpu.memory_space<hbm>>
      tpu.enqueue_dma source(%dma_start3A_296 : memref<12x128xi32, #tpu.memory_space<hbm>>) target(%arg8 : memref<12x128xi32, #tpu.memory_space<vmem>>) target_semaphore(%run_scoped3A : memref<!tpu.dma_semaphore, #tpu.memory_space<semaphore_mem>>)
      %dma_wait3A_297 = arith.constant 0 : i32
      %dma_wait3A_298 = arith.constant 0 : i32
      %dma_wait3A_299 = tpu.memref_slice %arg2[%add3A, %dma_wait3A_297, %dma_wait3A_298] : memref<32x12x128xi32, #tpu.memory_space<hbm>> -> memref<1x12x128xi32, #tpu.memory_space<hbm>>
      %dma_wait3A_300 = tpu.memref_squeeze %dma_wait3A_299 : memref<1x12x128xi32, #tpu.memory_space<hbm>> -> memref<12x128xi32, #tpu.memory_space<hbm>>
      %dma_wait3A_301 = arith.constant 0 : i32
      %dma_wait3A_302 = arith.constant 0 : i32
      %dma_wait3A_303 = tpu.memref_slice %arg2[%add3A, %dma_wait3A_301, %dma_wait3A_302] : memref<32x12x128xi32, #tpu.memory_space<hbm>> -> memref<1x12x128xi32, #tpu.memory_space<hbm>>
      %dma_wait3A_304 = tpu.memref_squeeze %dma_wait3A_303 : memref<1x12x128xi32, #tpu.memory_space<hbm>> -> memref<12x128xi32, #tpu.memory_space<hbm>>
      tpu.wait_dma2 semaphore(%run_scoped3A : memref<!tpu.dma_semaphore, #tpu.memory_space<semaphore_mem>>) src(%dma_wait3A_304 : memref<12x128xi32, #tpu.memory_space<hbm>>) dst(%arg8 : memref<12x128xi32, #tpu.memory_space<vmem>>)
      tpu.yield
    }) : () -> ()
    %dma_start3A = arith.constant 0 : i32
    %dma_start3A_3 = arith.constant 0 : i32
    %dma_start3A_4 = tpu.memref_slice %arg8[%dma_start3A, %dma_start3A_3] : memref<12x128xi32, #tpu.memory_space<vmem>> -> memref<1x128xi32, #tpu.memory_space<vmem>>
    %dma_start3A_5 = tpu.memref_squeeze %dma_start3A_4 : memref<1x128xi32, #tpu.memory_space<vmem>> -> memref<128xi32, #tpu.memory_space<vmem>>
    %dma_start3A_6 = arith.constant 0 : i32
    %dma_start3A_7 = arith.constant 0 : i32
    %dma_start3A_8 = tpu.memref_slice %arg3[%dma_start3A_6, %dma_start3A_7] : memref<100000x128xf32, #tpu.memory_space<hbm>> -> memref<100000x128xf32, #tpu.memory_space<hbm>>
    tpu.enqueue_indirect_dma source(%dma_start3A_8 : memref<100000x128xf32, #tpu.memory_space<hbm>>) target(%arg9 : memref<128x128xf32, #tpu.memory_space<vmem>>) offsets(%dma_start3A_5 : memref<128xi32, #tpu.memory_space<vmem>>) semaphore(%arg13 : memref<!tpu.dma_semaphore, #tpu.memory_space<semaphore_mem>>)
    %dma_start3A_9 = arith.constant 1 : i32
    %dma_start3A_10 = arith.constant 0 : i32
    %dma_start3A_11 = tpu.memref_slice %arg8[%dma_start3A_9, %dma_start3A_10] : memref<12x128xi32, #tpu.memory_space<vmem>> -> memref<1x128xi32, #tpu.memory_space<vmem>>
    %dma_start3A_12 = tpu.memref_squeeze %dma_start3A_11 : memref<1x128xi32, #tpu.memory_space<vmem>> -> memref<128xi32, #tpu.memory_space<vmem>>
    %dma_start3A_13 = arith.constant 0 : i32
    %dma_start3A_14 = arith.constant 0 : i32
    %dma_start3A_15 = tpu.memref_slice %arg3[%dma_start3A_13, %dma_start3A_14] : memref<100000x128xf32, #tpu.memory_space<hbm>> -> memref<100000x128xf32, #tpu.memory_space<hbm>>
    tpu.enqueue_indirect_dma source(%dma_start3A_15 : memref<100000x128xf32, #tpu.memory_space<hbm>>) target(%arg10 : memref<128x128xf32, #tpu.memory_space<vmem>>) offsets(%dma_start3A_12 : memref<128xi32, #tpu.memory_space<vmem>>) semaphore(%arg13 : memref<!tpu.dma_semaphore, #tpu.memory_space<semaphore_mem>>)
    %dma_wait3A = arith.constant 0 : i32
    %dma_wait3A_16 = arith.constant 0 : i32
    %dma_wait3A_17 = tpu.memref_slice %arg8[%dma_wait3A, %dma_wait3A_16] : memref<12x128xi32, #tpu.memory_space<vmem>> -> memref<1x128xi32, #tpu.memory_space<vmem>>
    %dma_wait3A_18 = tpu.memref_squeeze %dma_wait3A_17 : memref<1x128xi32, #tpu.memory_space<vmem>> -> memref<128xi32, #tpu.memory_space<vmem>>
    %dma_wait3A_19 = arith.constant 0 : i32
    %dma_wait3A_20 = arith.constant 0 : i32
    %dma_wait3A_21 = tpu.memref_slice %arg3[%dma_wait3A_19, %dma_wait3A_20] : memref<100000x128xf32, #tpu.memory_space<hbm>> -> memref<100000x128xf32, #tpu.memory_space<hbm>>
    tpu.wait_indirect_dma semaphore(%arg13 : memref<!tpu.dma_semaphore, #tpu.memory_space<semaphore_mem>>) src(%dma_wait3A_21 : memref<100000x128xf32, #tpu.memory_space<hbm>>) dst(%arg9 : memref<128x128xf32, #tpu.memory_space<vmem>>)
    %add3A_22 = arith.constant 0 : i32
    %add3A_23 = arith.addi %mul3A_2, %add3A_22 : i32
    %dma_start3A_24 = arith.constant 0 : i32
    %dma_start3A_25 = tpu.memref_slice %arg5[%add3A_23, %dma_start3A_24] : memref<16384x128xf32, #tpu.memory_space<hbm>> -> memref<128x128xf32, #tpu.memory_space<hbm>>
    %dma_start3A_26 = arith.constant 0 : i32
    %dma_start3A_27 = tpu.memref_slice %arg5[%add3A_23, %dma_start3A_26] : memref<16384x128xf32, #tpu.memory_space<hbm>> -> memref<128x128xf32, #tpu.memory_space<hbm>>
    tpu.enqueue_dma source(%arg9 : memref<128x128xf32, #tpu.memory_space<vmem>>) target(%dma_start3A_27 : memref<128x128xf32, #tpu.memory_space<hbm>>) target_semaphore(%arg14 : memref<!tpu.dma_semaphore, #tpu.memory_space<semaphore_mem>>)
    %dma_start3A_28 = arith.constant 2 : i32
    %dma_start3A_29 = arith.constant 0 : i32
    %dma_start3A_30 = tpu.memref_slice %arg8[%dma_start3A_28, %dma_start3A_29] : memref<12x128xi32, #tpu.memory_space<vmem>> -> memref<1x128xi32, #tpu.memory_space<vmem>>
    %dma_start3A_31 = tpu.memref_squeeze %dma_start3A_30 : memref<1x128xi32, #tpu.memory_space<vmem>> -> memref<128xi32, #tpu.memory_space<vmem>>
    %dma_start3A_32 = arith.constant 0 : i32
    %dma_start3A_33 = arith.constant 0 : i32
    %dma_start3A_34 = tpu.memref_slice %arg3[%dma_start3A_32, %dma_start3A_33] : memref<100000x128xf32, #tpu.memory_space<hbm>> -> memref<100000x128xf32, #tpu.memory_space<hbm>>
    tpu.enqueue_indirect_dma source(%dma_start3A_34 : memref<100000x128xf32, #tpu.memory_space<hbm>>) target(%arg11 : memref<128x128xf32, #tpu.memory_space<vmem>>) offsets(%dma_start3A_31 : memref<128xi32, #tpu.memory_space<vmem>>) semaphore(%arg13 : memref<!tpu.dma_semaphore, #tpu.memory_space<semaphore_mem>>)
    %dma_wait3A_35 = arith.constant 1 : i32
    %dma_wait3A_36 = arith.constant 0 : i32
    %dma_wait3A_37 = tpu.memref_slice %arg8[%dma_wait3A_35, %dma_wait3A_36] : memref<12x128xi32, #tpu.memory_space<vmem>> -> memref<1x128xi32, #tpu.memory_space<vmem>>
    %dma_wait3A_38 = tpu.memref_squeeze %dma_wait3A_37 : memref<1x128xi32, #tpu.memory_space<vmem>> -> memref<128xi32, #tpu.memory_space<vmem>>
    %dma_wait3A_39 = arith.constant 0 : i32
    %dma_wait3A_40 = arith.constant 0 : i32
    %dma_wait3A_41 = tpu.memref_slice %arg3[%dma_wait3A_39, %dma_wait3A_40] : memref<100000x128xf32, #tpu.memory_space<hbm>> -> memref<100000x128xf32, #tpu.memory_space<hbm>>
    tpu.wait_indirect_dma semaphore(%arg13 : memref<!tpu.dma_semaphore, #tpu.memory_space<semaphore_mem>>) src(%dma_wait3A_41 : memref<100000x128xf32, #tpu.memory_space<hbm>>) dst(%arg10 : memref<128x128xf32, #tpu.memory_space<vmem>>)
    %add3A_42 = arith.constant 128 : i32
    %add3A_43 = arith.addi %mul3A_2, %add3A_42 : i32
    %dma_start3A_44 = arith.constant 0 : i32
    %dma_start3A_45 = tpu.memref_slice %arg5[%add3A_43, %dma_start3A_44] : memref<16384x128xf32, #tpu.memory_space<hbm>> -> memref<128x128xf32, #tpu.memory_space<hbm>>
    %dma_start3A_46 = arith.constant 0 : i32
    %dma_start3A_47 = tpu.memref_slice %arg5[%add3A_43, %dma_start3A_46] : memref<16384x128xf32, #tpu.memory_space<hbm>> -> memref<128x128xf32, #tpu.memory_space<hbm>>
    tpu.enqueue_dma source(%arg10 : memref<128x128xf32, #tpu.memory_space<vmem>>) target(%dma_start3A_47 : memref<128x128xf32, #tpu.memory_space<hbm>>) target_semaphore(%arg14 : memref<!tpu.dma_semaphore, #tpu.memory_space<semaphore_mem>>)
    %dma_start3A_48 = arith.constant 3 : i32
    %dma_start3A_49 = arith.constant 0 : i32
    %dma_start3A_50 = tpu.memref_slice %arg8[%dma_start3A_48, %dma_start3A_49] : memref<12x128xi32, #tpu.memory_space<vmem>> -> memref<1x128xi32, #tpu.memory_space<vmem>>
    %dma_start3A_51 = tpu.memref_squeeze %dma_start3A_50 : memref<1x128xi32, #tpu.memory_space<vmem>> -> memref<128xi32, #tpu.memory_space<vmem>>
    %dma_start3A_52 = arith.constant 0 : i32
    %dma_start3A_53 = arith.constant 0 : i32
    %dma_start3A_54 = tpu.memref_slice %arg3[%dma_start3A_52, %dma_start3A_53] : memref<100000x128xf32, #tpu.memory_space<hbm>> -> memref<100000x128xf32, #tpu.memory_space<hbm>>
    tpu.enqueue_indirect_dma source(%dma_start3A_54 : memref<100000x128xf32, #tpu.memory_space<hbm>>) target(%arg12 : memref<128x128xf32, #tpu.memory_space<vmem>>) offsets(%dma_start3A_51 : memref<128xi32, #tpu.memory_space<vmem>>) semaphore(%arg13 : memref<!tpu.dma_semaphore, #tpu.memory_space<semaphore_mem>>)
    %dma_wait3A_55 = arith.constant 2 : i32
    %dma_wait3A_56 = arith.constant 0 : i32
    %dma_wait3A_57 = tpu.memref_slice %arg8[%dma_wait3A_55, %dma_wait3A_56] : memref<12x128xi32, #tpu.memory_space<vmem>> -> memref<1x128xi32, #tpu.memory_space<vmem>>
    %dma_wait3A_58 = tpu.memref_squeeze %dma_wait3A_57 : memref<1x128xi32, #tpu.memory_space<vmem>> -> memref<128xi32, #tpu.memory_space<vmem>>
    %dma_wait3A_59 = arith.constant 0 : i32
    %dma_wait3A_60 = arith.constant 0 : i32
    %dma_wait3A_61 = tpu.memref_slice %arg3[%dma_wait3A_59, %dma_wait3A_60] : memref<100000x128xf32, #tpu.memory_space<hbm>> -> memref<100000x128xf32, #tpu.memory_space<hbm>>
    tpu.wait_indirect_dma semaphore(%arg13 : memref<!tpu.dma_semaphore, #tpu.memory_space<semaphore_mem>>) src(%dma_wait3A_61 : memref<100000x128xf32, #tpu.memory_space<hbm>>) dst(%arg11 : memref<128x128xf32, #tpu.memory_space<vmem>>)
    %add3A_62 = arith.constant 256 : i32
    %add3A_63 = arith.addi %mul3A_2, %add3A_62 : i32
    %dma_start3A_64 = arith.constant 0 : i32
    %dma_start3A_65 = tpu.memref_slice %arg5[%add3A_63, %dma_start3A_64] : memref<16384x128xf32, #tpu.memory_space<hbm>> -> memref<128x128xf32, #tpu.memory_space<hbm>>
    %dma_start3A_66 = arith.constant 0 : i32
    %dma_start3A_67 = tpu.memref_slice %arg5[%add3A_63, %dma_start3A_66] : memref<16384x128xf32, #tpu.memory_space<hbm>> -> memref<128x128xf32, #tpu.memory_space<hbm>>
    tpu.enqueue_dma source(%arg11 : memref<128x128xf32, #tpu.memory_space<vmem>>) target(%dma_start3A_67 : memref<128x128xf32, #tpu.memory_space<hbm>>) target_semaphore(%arg14 : memref<!tpu.dma_semaphore, #tpu.memory_space<semaphore_mem>>)
    %dma_wait3A_68 = arith.constant 0 : i32
    %dma_wait3A_69 = tpu.memref_slice %arg5[%add3A_23, %dma_wait3A_68] : memref<16384x128xf32, #tpu.memory_space<hbm>> -> memref<128x128xf32, #tpu.memory_space<hbm>>
    %dma_wait3A_70 = arith.constant 0 : i32
    %dma_wait3A_71 = tpu.memref_slice %arg5[%add3A_23, %dma_wait3A_70] : memref<16384x128xf32, #tpu.memory_space<hbm>> -> memref<128x128xf32, #tpu.memory_space<hbm>>
    tpu.wait_dma2 semaphore(%arg14 : memref<!tpu.dma_semaphore, #tpu.memory_space<semaphore_mem>>) src(%arg9 : memref<128x128xf32, #tpu.memory_space<vmem>>) dst(%dma_wait3A_71 : memref<128x128xf32, #tpu.memory_space<hbm>>)
    %dma_start3A_72 = arith.constant 4 : i32
    %dma_start3A_73 = arith.constant 0 : i32
    %dma_start3A_74 = tpu.memref_slice %arg8[%dma_start3A_72, %dma_start3A_73] : memref<12x128xi32, #tpu.memory_space<vmem>> -> memref<1x128xi32, #tpu.memory_space<vmem>>
    %dma_start3A_75 = tpu.memref_squeeze %dma_start3A_74 : memref<1x128xi32, #tpu.memory_space<vmem>> -> memref<128xi32, #tpu.memory_space<vmem>>
    %dma_start3A_76 = arith.constant 0 : i32
    %dma_start3A_77 = arith.constant 0 : i32
    %dma_start3A_78 = tpu.memref_slice %arg4[%dma_start3A_76, %dma_start3A_77] : memref<100000x128xf32, #tpu.memory_space<hbm>> -> memref<100000x128xf32, #tpu.memory_space<hbm>>
    tpu.enqueue_indirect_dma source(%dma_start3A_78 : memref<100000x128xf32, #tpu.memory_space<hbm>>) target(%arg9 : memref<128x128xf32, #tpu.memory_space<vmem>>) offsets(%dma_start3A_75 : memref<128xi32, #tpu.memory_space<vmem>>) semaphore(%arg13 : memref<!tpu.dma_semaphore, #tpu.memory_space<semaphore_mem>>)
    %dma_wait3A_79 = arith.constant 3 : i32
    %dma_wait3A_80 = arith.constant 0 : i32
    %dma_wait3A_81 = tpu.memref_slice %arg8[%dma_wait3A_79, %dma_wait3A_80] : memref<12x128xi32, #tpu.memory_space<vmem>> -> memref<1x128xi32, #tpu.memory_space<vmem>>
    %dma_wait3A_82 = tpu.memref_squeeze %dma_wait3A_81 : memref<1x128xi32, #tpu.memory_space<vmem>> -> memref<128xi32, #tpu.memory_space<vmem>>
    %dma_wait3A_83 = arith.constant 0 : i32
    %dma_wait3A_84 = arith.constant 0 : i32
    %dma_wait3A_85 = tpu.memref_slice %arg3[%dma_wait3A_83, %dma_wait3A_84] : memref<100000x128xf32, #tpu.memory_space<hbm>> -> memref<100000x128xf32, #tpu.memory_space<hbm>>
    tpu.wait_indirect_dma semaphore(%arg13 : memref<!tpu.dma_semaphore, #tpu.memory_space<semaphore_mem>>) src(%dma_wait3A_85 : memref<100000x128xf32, #tpu.memory_space<hbm>>) dst(%arg12 : memref<128x128xf32, #tpu.memory_space<vmem>>)
    %add3A_86 = arith.constant 384 : i32
    %add3A_87 = arith.addi %mul3A_2, %add3A_86 : i32
    %dma_start3A_88 = arith.constant 0 : i32
    %dma_start3A_89 = tpu.memref_slice %arg5[%add3A_87, %dma_start3A_88] : memref<16384x128xf32, #tpu.memory_space<hbm>> -> memref<128x128xf32, #tpu.memory_space<hbm>>
    %dma_start3A_90 = arith.constant 0 : i32
    %dma_start3A_91 = tpu.memref_slice %arg5[%add3A_87, %dma_start3A_90] : memref<16384x128xf32, #tpu.memory_space<hbm>> -> memref<128x128xf32, #tpu.memory_space<hbm>>
    tpu.enqueue_dma source(%arg12 : memref<128x128xf32, #tpu.memory_space<vmem>>) target(%dma_start3A_91 : memref<128x128xf32, #tpu.memory_space<hbm>>) target_semaphore(%arg14 : memref<!tpu.dma_semaphore, #tpu.memory_space<semaphore_mem>>)
    %dma_wait3A_92 = arith.constant 0 : i32
    %dma_wait3A_93 = tpu.memref_slice %arg5[%add3A_43, %dma_wait3A_92] : memref<16384x128xf32, #tpu.memory_space<hbm>> -> memref<128x128xf32, #tpu.memory_space<hbm>>
    %dma_wait3A_94 = arith.constant 0 : i32
    %dma_wait3A_95 = tpu.memref_slice %arg5[%add3A_43, %dma_wait3A_94] : memref<16384x128xf32, #tpu.memory_space<hbm>> -> memref<128x128xf32, #tpu.memory_space<hbm>>
    tpu.wait_dma2 semaphore(%arg14 : memref<!tpu.dma_semaphore, #tpu.memory_space<semaphore_mem>>) src(%arg10 : memref<128x128xf32, #tpu.memory_space<vmem>>) dst(%dma_wait3A_95 : memref<128x128xf32, #tpu.memory_space<hbm>>)
    %dma_start3A_96 = arith.constant 5 : i32
    %dma_start3A_97 = arith.constant 0 : i32
    %dma_start3A_98 = tpu.memref_slice %arg8[%dma_start3A_96, %dma_start3A_97] : memref<12x128xi32, #tpu.memory_space<vmem>> -> memref<1x128xi32, #tpu.memory_space<vmem>>
    %dma_start3A_99 = tpu.memref_squeeze %dma_start3A_98 : memref<1x128xi32, #tpu.memory_space<vmem>> -> memref<128xi32, #tpu.memory_space<vmem>>
    %dma_start3A_100 = arith.constant 0 : i32
    %dma_start3A_101 = arith.constant 0 : i32
    %dma_start3A_102 = tpu.memref_slice %arg4[%dma_start3A_100, %dma_start3A_101] : memref<100000x128xf32, #tpu.memory_space<hbm>> -> memref<100000x128xf32, #tpu.memory_space<hbm>>
    tpu.enqueue_indirect_dma source(%dma_start3A_102 : memref<100000x128xf32, #tpu.memory_space<hbm>>) target(%arg10 : memref<128x128xf32, #tpu.memory_space<vmem>>) offsets(%dma_start3A_99 : memref<128xi32, #tpu.memory_space<vmem>>) semaphore(%arg13 : memref<!tpu.dma_semaphore, #tpu.memory_space<semaphore_mem>>)
    %dma_wait3A_103 = arith.constant 4 : i32
    %dma_wait3A_104 = arith.constant 0 : i32
    %dma_wait3A_105 = tpu.memref_slice %arg8[%dma_wait3A_103, %dma_wait3A_104] : memref<12x128xi32, #tpu.memory_space<vmem>> -> memref<1x128xi32, #tpu.memory_space<vmem>>
    %dma_wait3A_106 = tpu.memref_squeeze %dma_wait3A_105 : memref<1x128xi32, #tpu.memory_space<vmem>> -> memref<128xi32, #tpu.memory_space<vmem>>
    %dma_wait3A_107 = arith.constant 0 : i32
    %dma_wait3A_108 = arith.constant 0 : i32
    %dma_wait3A_109 = tpu.memref_slice %arg4[%dma_wait3A_107, %dma_wait3A_108] : memref<100000x128xf32, #tpu.memory_space<hbm>> -> memref<100000x128xf32, #tpu.memory_space<hbm>>
    tpu.wait_indirect_dma semaphore(%arg13 : memref<!tpu.dma_semaphore, #tpu.memory_space<semaphore_mem>>) src(%dma_wait3A_109 : memref<100000x128xf32, #tpu.memory_space<hbm>>) dst(%arg9 : memref<128x128xf32, #tpu.memory_space<vmem>>)
    %add3A_110 = arith.constant 0 : i32
    %add3A_111 = arith.addi %mul3A_2, %add3A_110 : i32
    %dma_start3A_112 = arith.constant 0 : i32
    %dma_start3A_113 = tpu.memref_slice %arg6[%add3A_111, %dma_start3A_112] : memref<16384x128xf32, #tpu.memory_space<hbm>> -> memref<128x128xf32, #tpu.memory_space<hbm>>
    %dma_start3A_114 = arith.constant 0 : i32
    %dma_start3A_115 = tpu.memref_slice %arg6[%add3A_111, %dma_start3A_114] : memref<16384x128xf32, #tpu.memory_space<hbm>> -> memref<128x128xf32, #tpu.memory_space<hbm>>
    tpu.enqueue_dma source(%arg9 : memref<128x128xf32, #tpu.memory_space<vmem>>) target(%dma_start3A_115 : memref<128x128xf32, #tpu.memory_space<hbm>>) target_semaphore(%arg14 : memref<!tpu.dma_semaphore, #tpu.memory_space<semaphore_mem>>)
    %dma_wait3A_116 = arith.constant 0 : i32
    %dma_wait3A_117 = tpu.memref_slice %arg5[%add3A_63, %dma_wait3A_116] : memref<16384x128xf32, #tpu.memory_space<hbm>> -> memref<128x128xf32, #tpu.memory_space<hbm>>
    %dma_wait3A_118 = arith.constant 0 : i32
    %dma_wait3A_119 = tpu.memref_slice %arg5[%add3A_63, %dma_wait3A_118] : memref<16384x128xf32, #tpu.memory_space<hbm>> -> memref<128x128xf32, #tpu.memory_space<hbm>>
    tpu.wait_dma2 semaphore(%arg14 : memref<!tpu.dma_semaphore, #tpu.memory_space<semaphore_mem>>) src(%arg11 : memref<128x128xf32, #tpu.memory_space<vmem>>) dst(%dma_wait3A_119 : memref<128x128xf32, #tpu.memory_space<hbm>>)
    %dma_start3A_120 = arith.constant 6 : i32
    %dma_start3A_121 = arith.constant 0 : i32
    %dma_start3A_122 = tpu.memref_slice %arg8[%dma_start3A_120, %dma_start3A_121] : memref<12x128xi32, #tpu.memory_space<vmem>> -> memref<1x128xi32, #tpu.memory_space<vmem>>
    %dma_start3A_123 = tpu.memref_squeeze %dma_start3A_122 : memref<1x128xi32, #tpu.memory_space<vmem>> -> memref<128xi32, #tpu.memory_space<vmem>>
    %dma_start3A_124 = arith.constant 0 : i32
    %dma_start3A_125 = arith.constant 0 : i32
    %dma_start3A_126 = tpu.memref_slice %arg4[%dma_start3A_124, %dma_start3A_125] : memref<100000x128xf32, #tpu.memory_space<hbm>> -> memref<100000x128xf32, #tpu.memory_space<hbm>>
    tpu.enqueue_indirect_dma source(%dma_start3A_126 : memref<100000x128xf32, #tpu.memory_space<hbm>>) target(%arg11 : memref<128x128xf32, #tpu.memory_space<vmem>>) offsets(%dma_start3A_123 : memref<128xi32, #tpu.memory_space<vmem>>) semaphore(%arg13 : memref<!tpu.dma_semaphore, #tpu.memory_space<semaphore_mem>>)
    %dma_wait3A_127 = arith.constant 5 : i32
    %dma_wait3A_128 = arith.constant 0 : i32
    %dma_wait3A_129 = tpu.memref_slice %arg8[%dma_wait3A_127, %dma_wait3A_128] : memref<12x128xi32, #tpu.memory_space<vmem>> -> memref<1x128xi32, #tpu.memory_space<vmem>>
    %dma_wait3A_130 = tpu.memref_squeeze %dma_wait3A_129 : memref<1x128xi32, #tpu.memory_space<vmem>> -> memref<128xi32, #tpu.memory_space<vmem>>
    %dma_wait3A_131 = arith.constant 0 : i32
    %dma_wait3A_132 = arith.constant 0 : i32
    %dma_wait3A_133 = tpu.memref_slice %arg4[%dma_wait3A_131, %dma_wait3A_132] : memref<100000x128xf32, #tpu.memory_space<hbm>> -> memref<100000x128xf32, #tpu.memory_space<hbm>>
    tpu.wait_indirect_dma semaphore(%arg13 : memref<!tpu.dma_semaphore, #tpu.memory_space<semaphore_mem>>) src(%dma_wait3A_133 : memref<100000x128xf32, #tpu.memory_space<hbm>>) dst(%arg10 : memref<128x128xf32, #tpu.memory_space<vmem>>)
    %add3A_134 = arith.constant 128 : i32
    %add3A_135 = arith.addi %mul3A_2, %add3A_134 : i32
    %dma_start3A_136 = arith.constant 0 : i32
    %dma_start3A_137 = tpu.memref_slice %arg6[%add3A_135, %dma_start3A_136] : memref<16384x128xf32, #tpu.memory_space<hbm>> -> memref<128x128xf32, #tpu.memory_space<hbm>>
    %dma_start3A_138 = arith.constant 0 : i32
    %dma_start3A_139 = tpu.memref_slice %arg6[%add3A_135, %dma_start3A_138] : memref<16384x128xf32, #tpu.memory_space<hbm>> -> memref<128x128xf32, #tpu.memory_space<hbm>>
    tpu.enqueue_dma source(%arg10 : memref<128x128xf32, #tpu.memory_space<vmem>>) target(%dma_start3A_139 : memref<128x128xf32, #tpu.memory_space<hbm>>) target_semaphore(%arg14 : memref<!tpu.dma_semaphore, #tpu.memory_space<semaphore_mem>>)
    %dma_wait3A_140 = arith.constant 0 : i32
    %dma_wait3A_141 = tpu.memref_slice %arg5[%add3A_87, %dma_wait3A_140] : memref<16384x128xf32, #tpu.memory_space<hbm>> -> memref<128x128xf32, #tpu.memory_space<hbm>>
    %dma_wait3A_142 = arith.constant 0 : i32
    %dma_wait3A_143 = tpu.memref_slice %arg5[%add3A_87, %dma_wait3A_142] : memref<16384x128xf32, #tpu.memory_space<hbm>> -> memref<128x128xf32, #tpu.memory_space<hbm>>
    tpu.wait_dma2 semaphore(%arg14 : memref<!tpu.dma_semaphore, #tpu.memory_space<semaphore_mem>>) src(%arg12 : memref<128x128xf32, #tpu.memory_space<vmem>>) dst(%dma_wait3A_143 : memref<128x128xf32, #tpu.memory_space<hbm>>)
    %dma_start3A_144 = arith.constant 7 : i32
    %dma_start3A_145 = arith.constant 0 : i32
    %dma_start3A_146 = tpu.memref_slice %arg8[%dma_start3A_144, %dma_start3A_145] : memref<12x128xi32, #tpu.memory_space<vmem>> -> memref<1x128xi32, #tpu.memory_space<vmem>>
    %dma_start3A_147 = tpu.memref_squeeze %dma_start3A_146 : memref<1x128xi32, #tpu.memory_space<vmem>> -> memref<128xi32, #tpu.memory_space<vmem>>
    %dma_start3A_148 = arith.constant 0 : i32
    %dma_start3A_149 = arith.constant 0 : i32
    %dma_start3A_150 = tpu.memref_slice %arg4[%dma_start3A_148, %dma_start3A_149] : memref<100000x128xf32, #tpu.memory_space<hbm>> -> memref<100000x128xf32, #tpu.memory_space<hbm>>
    tpu.enqueue_indirect_dma source(%dma_start3A_150 : memref<100000x128xf32, #tpu.memory_space<hbm>>) target(%arg12 : memref<128x128xf32, #tpu.memory_space<vmem>>) offsets(%dma_start3A_147 : memref<128xi32, #tpu.memory_space<vmem>>) semaphore(%arg13 : memref<!tpu.dma_semaphore, #tpu.memory_space<semaphore_mem>>)
    %dma_wait3A_151 = arith.constant 6 : i32
    %dma_wait3A_152 = arith.constant 0 : i32
    %dma_wait3A_153 = tpu.memref_slice %arg8[%dma_wait3A_151, %dma_wait3A_152] : memref<12x128xi32, #tpu.memory_space<vmem>> -> memref<1x128xi32, #tpu.memory_space<vmem>>
    %dma_wait3A_154 = tpu.memref_squeeze %dma_wait3A_153 : memref<1x128xi32, #tpu.memory_space<vmem>> -> memref<128xi32, #tpu.memory_space<vmem>>
    %dma_wait3A_155 = arith.constant 0 : i32
    %dma_wait3A_156 = arith.constant 0 : i32
    %dma_wait3A_157 = tpu.memref_slice %arg4[%dma_wait3A_155, %dma_wait3A_156] : memref<100000x128xf32, #tpu.memory_space<hbm>> -> memref<100000x128xf32, #tpu.memory_space<hbm>>
    tpu.wait_indirect_dma semaphore(%arg13 : memref<!tpu.dma_semaphore, #tpu.memory_space<semaphore_mem>>) src(%dma_wait3A_157 : memref<100000x128xf32, #tpu.memory_space<hbm>>) dst(%arg11 : memref<128x128xf32, #tpu.memory_space<vmem>>)
    %add3A_158 = arith.constant 256 : i32
    %add3A_159 = arith.addi %mul3A_2, %add3A_158 : i32
    %dma_start3A_160 = arith.constant 0 : i32
    %dma_start3A_161 = tpu.memref_slice %arg6[%add3A_159, %dma_start3A_160] : memref<16384x128xf32, #tpu.memory_space<hbm>> -> memref<128x128xf32, #tpu.memory_space<hbm>>
    %dma_start3A_162 = arith.constant 0 : i32
    %dma_start3A_163 = tpu.memref_slice %arg6[%add3A_159, %dma_start3A_162] : memref<16384x128xf32, #tpu.memory_space<hbm>> -> memref<128x128xf32, #tpu.memory_space<hbm>>
    tpu.enqueue_dma source(%arg11 : memref<128x128xf32, #tpu.memory_space<vmem>>) target(%dma_start3A_163 : memref<128x128xf32, #tpu.memory_space<hbm>>) target_semaphore(%arg14 : memref<!tpu.dma_semaphore, #tpu.memory_space<semaphore_mem>>)
    %dma_wait3A_164 = arith.constant 0 : i32
    %dma_wait3A_165 = tpu.memref_slice %arg6[%add3A_111, %dma_wait3A_164] : memref<16384x128xf32, #tpu.memory_space<hbm>> -> memref<128x128xf32, #tpu.memory_space<hbm>>
    %dma_wait3A_166 = arith.constant 0 : i32
    %dma_wait3A_167 = tpu.memref_slice %arg6[%add3A_111, %dma_wait3A_166] : memref<16384x128xf32, #tpu.memory_space<hbm>> -> memref<128x128xf32, #tpu.memory_space<hbm>>
    tpu.wait_dma2 semaphore(%arg14 : memref<!tpu.dma_semaphore, #tpu.memory_space<semaphore_mem>>) src(%arg9 : memref<128x128xf32, #tpu.memory_space<vmem>>) dst(%dma_wait3A_167 : memref<128x128xf32, #tpu.memory_space<hbm>>)
    %dma_start3A_168 = arith.constant 8 : i32
    %dma_start3A_169 = arith.constant 0 : i32
    %dma_start3A_170 = tpu.memref_slice %arg8[%dma_start3A_168, %dma_start3A_169] : memref<12x128xi32, #tpu.memory_space<vmem>> -> memref<1x128xi32, #tpu.memory_space<vmem>>
    %dma_start3A_171 = tpu.memref_squeeze %dma_start3A_170 : memref<1x128xi32, #tpu.memory_space<vmem>> -> memref<128xi32, #tpu.memory_space<vmem>>
    %dma_start3A_172 = arith.constant 0 : i32
    %dma_start3A_173 = arith.constant 0 : i32
    %dma_start3A_174 = tpu.memref_slice %arg4[%dma_start3A_172, %dma_start3A_173] : memref<100000x128xf32, #tpu.memory_space<hbm>> -> memref<100000x128xf32, #tpu.memory_space<hbm>>
    tpu.enqueue_indirect_dma source(%dma_start3A_174 : memref<100000x128xf32, #tpu.memory_space<hbm>>) target(%arg9 : memref<128x128xf32, #tpu.memory_space<vmem>>) offsets(%dma_start3A_171 : memref<128xi32, #tpu.memory_space<vmem>>) semaphore(%arg13 : memref<!tpu.dma_semaphore, #tpu.memory_space<semaphore_mem>>)
    %dma_wait3A_175 = arith.constant 7 : i32
    %dma_wait3A_176 = arith.constant 0 : i32
    %dma_wait3A_177 = tpu.memref_slice %arg8[%dma_wait3A_175, %dma_wait3A_176] : memref<12x128xi32, #tpu.memory_space<vmem>> -> memref<1x128xi32, #tpu.memory_space<vmem>>
    %dma_wait3A_178 = tpu.memref_squeeze %dma_wait3A_177 : memref<1x128xi32, #tpu.memory_space<vmem>> -> memref<128xi32, #tpu.memory_space<vmem>>
    %dma_wait3A_179 = arith.constant 0 : i32
    %dma_wait3A_180 = arith.constant 0 : i32
    %dma_wait3A_181 = tpu.memref_slice %arg4[%dma_wait3A_179, %dma_wait3A_180] : memref<100000x128xf32, #tpu.memory_space<hbm>> -> memref<100000x128xf32, #tpu.memory_space<hbm>>
    tpu.wait_indirect_dma semaphore(%arg13 : memref<!tpu.dma_semaphore, #tpu.memory_space<semaphore_mem>>) src(%dma_wait3A_181 : memref<100000x128xf32, #tpu.memory_space<hbm>>) dst(%arg12 : memref<128x128xf32, #tpu.memory_space<vmem>>)
    %add3A_182 = arith.constant 384 : i32
    %add3A_183 = arith.addi %mul3A_2, %add3A_182 : i32
    %dma_start3A_184 = arith.constant 0 : i32
    %dma_start3A_185 = tpu.memref_slice %arg6[%add3A_183, %dma_start3A_184] : memref<16384x128xf32, #tpu.memory_space<hbm>> -> memref<128x128xf32, #tpu.memory_space<hbm>>
    %dma_start3A_186 = arith.constant 0 : i32
    %dma_start3A_187 = tpu.memref_slice %arg6[%add3A_183, %dma_start3A_186] : memref<16384x128xf32, #tpu.memory_space<hbm>> -> memref<128x128xf32, #tpu.memory_space<hbm>>
    tpu.enqueue_dma source(%arg12 : memref<128x128xf32, #tpu.memory_space<vmem>>) target(%dma_start3A_187 : memref<128x128xf32, #tpu.memory_space<hbm>>) target_semaphore(%arg14 : memref<!tpu.dma_semaphore, #tpu.memory_space<semaphore_mem>>)
    %dma_wait3A_188 = arith.constant 0 : i32
    %dma_wait3A_189 = tpu.memref_slice %arg6[%add3A_135, %dma_wait3A_188] : memref<16384x128xf32, #tpu.memory_space<hbm>> -> memref<128x128xf32, #tpu.memory_space<hbm>>
    %dma_wait3A_190 = arith.constant 0 : i32
    %dma_wait3A_191 = tpu.memref_slice %arg6[%add3A_135, %dma_wait3A_190] : memref<16384x128xf32, #tpu.memory_space<hbm>> -> memref<128x128xf32, #tpu.memory_space<hbm>>
    tpu.wait_dma2 semaphore(%arg14 : memref<!tpu.dma_semaphore, #tpu.memory_space<semaphore_mem>>) src(%arg10 : memref<128x128xf32, #tpu.memory_space<vmem>>) dst(%dma_wait3A_191 : memref<128x128xf32, #tpu.memory_space<hbm>>)
    %dma_start3A_192 = arith.constant 9 : i32
    %dma_start3A_193 = arith.constant 0 : i32
    %dma_start3A_194 = tpu.memref_slice %arg8[%dma_start3A_192, %dma_start3A_193] : memref<12x128xi32, #tpu.memory_space<vmem>> -> memref<1x128xi32, #tpu.memory_space<vmem>>
    %dma_start3A_195 = tpu.memref_squeeze %dma_start3A_194 : memref<1x128xi32, #tpu.memory_space<vmem>> -> memref<128xi32, #tpu.memory_space<vmem>>
    %dma_start3A_196 = arith.constant 0 : i32
    %dma_start3A_197 = arith.constant 0 : i32
    %dma_start3A_198 = tpu.memref_slice %arg4[%dma_start3A_196, %dma_start3A_197] : memref<100000x128xf32, #tpu.memory_space<hbm>> -> memref<100000x128xf32, #tpu.memory_space<hbm>>
    tpu.enqueue_indirect_dma source(%dma_start3A_198 : memref<100000x128xf32, #tpu.memory_space<hbm>>) target(%arg10 : memref<128x128xf32, #tpu.memory_space<vmem>>) offsets(%dma_start3A_195 : memref<128xi32, #tpu.memory_space<vmem>>) semaphore(%arg13 : memref<!tpu.dma_semaphore, #tpu.memory_space<semaphore_mem>>)
    %dma_wait3A_199 = arith.constant 8 : i32
    %dma_wait3A_200 = arith.constant 0 : i32
    %dma_wait3A_201 = tpu.memref_slice %arg8[%dma_wait3A_199, %dma_wait3A_200] : memref<12x128xi32, #tpu.memory_space<vmem>> -> memref<1x128xi32, #tpu.memory_space<vmem>>
    %dma_wait3A_202 = tpu.memref_squeeze %dma_wait3A_201 : memref<1x128xi32, #tpu.memory_space<vmem>> -> memref<128xi32, #tpu.memory_space<vmem>>
    %dma_wait3A_203 = arith.constant 0 : i32
    %dma_wait3A_204 = arith.constant 0 : i32
    %dma_wait3A_205 = tpu.memref_slice %arg4[%dma_wait3A_203, %dma_wait3A_204] : memref<100000x128xf32, #tpu.memory_space<hbm>> -> memref<100000x128xf32, #tpu.memory_space<hbm>>
    tpu.wait_indirect_dma semaphore(%arg13 : memref<!tpu.dma_semaphore, #tpu.memory_space<semaphore_mem>>) src(%dma_wait3A_205 : memref<100000x128xf32, #tpu.memory_space<hbm>>) dst(%arg9 : memref<128x128xf32, #tpu.memory_space<vmem>>)
    %add3A_206 = arith.constant 0 : i32
    %add3A_207 = arith.addi %mul3A_2, %add3A_206 : i32
    %dma_start3A_208 = arith.constant 0 : i32
    %dma_start3A_209 = tpu.memref_slice %arg7[%add3A_207, %dma_start3A_208] : memref<16384x128xf32, #tpu.memory_space<hbm>> -> memref<128x128xf32, #tpu.memory_space<hbm>>
    %dma_start3A_210 = arith.constant 0 : i32
    %dma_start3A_211 = tpu.memref_slice %arg7[%add3A_207, %dma_start3A_210] : memref<16384x128xf32, #tpu.memory_space<hbm>> -> memref<128x128xf32, #tpu.memory_space<hbm>>
    tpu.enqueue_dma source(%arg9 : memref<128x128xf32, #tpu.memory_space<vmem>>) target(%dma_start3A_211 : memref<128x128xf32, #tpu.memory_space<hbm>>) target_semaphore(%arg14 : memref<!tpu.dma_semaphore, #tpu.memory_space<semaphore_mem>>)
    %dma_wait3A_212 = arith.constant 0 : i32
    %dma_wait3A_213 = tpu.memref_slice %arg6[%add3A_159, %dma_wait3A_212] : memref<16384x128xf32, #tpu.memory_space<hbm>> -> memref<128x128xf32, #tpu.memory_space<hbm>>
    %dma_wait3A_214 = arith.constant 0 : i32
    %dma_wait3A_215 = tpu.memref_slice %arg6[%add3A_159, %dma_wait3A_214] : memref<16384x128xf32, #tpu.memory_space<hbm>> -> memref<128x128xf32, #tpu.memory_space<hbm>>
    tpu.wait_dma2 semaphore(%arg14 : memref<!tpu.dma_semaphore, #tpu.memory_space<semaphore_mem>>) src(%arg11 : memref<128x128xf32, #tpu.memory_space<vmem>>) dst(%dma_wait3A_215 : memref<128x128xf32, #tpu.memory_space<hbm>>)
    %dma_start3A_216 = arith.constant 10 : i32
    %dma_start3A_217 = arith.constant 0 : i32
    %dma_start3A_218 = tpu.memref_slice %arg8[%dma_start3A_216, %dma_start3A_217] : memref<12x128xi32, #tpu.memory_space<vmem>> -> memref<1x128xi32, #tpu.memory_space<vmem>>
    %dma_start3A_219 = tpu.memref_squeeze %dma_start3A_218 : memref<1x128xi32, #tpu.memory_space<vmem>> -> memref<128xi32, #tpu.memory_space<vmem>>
    %dma_start3A_220 = arith.constant 0 : i32
    %dma_start3A_221 = arith.constant 0 : i32
    %dma_start3A_222 = tpu.memref_slice %arg4[%dma_start3A_220, %dma_start3A_221] : memref<100000x128xf32, #tpu.memory_space<hbm>> -> memref<100000x128xf32, #tpu.memory_space<hbm>>
    tpu.enqueue_indirect_dma source(%dma_start3A_222 : memref<100000x128xf32, #tpu.memory_space<hbm>>) target(%arg11 : memref<128x128xf32, #tpu.memory_space<vmem>>) offsets(%dma_start3A_219 : memref<128xi32, #tpu.memory_space<vmem>>) semaphore(%arg13 : memref<!tpu.dma_semaphore, #tpu.memory_space<semaphore_mem>>)
    %dma_wait3A_223 = arith.constant 9 : i32
    %dma_wait3A_224 = arith.constant 0 : i32
    %dma_wait3A_225 = tpu.memref_slice %arg8[%dma_wait3A_223, %dma_wait3A_224] : memref<12x128xi32, #tpu.memory_space<vmem>> -> memref<1x128xi32, #tpu.memory_space<vmem>>
    %dma_wait3A_226 = tpu.memref_squeeze %dma_wait3A_225 : memref<1x128xi32, #tpu.memory_space<vmem>> -> memref<128xi32, #tpu.memory_space<vmem>>
    %dma_wait3A_227 = arith.constant 0 : i32
    %dma_wait3A_228 = arith.constant 0 : i32
    %dma_wait3A_229 = tpu.memref_slice %arg4[%dma_wait3A_227, %dma_wait3A_228] : memref<100000x128xf32, #tpu.memory_space<hbm>> -> memref<100000x128xf32, #tpu.memory_space<hbm>>
    tpu.wait_indirect_dma semaphore(%arg13 : memref<!tpu.dma_semaphore, #tpu.memory_space<semaphore_mem>>) src(%dma_wait3A_229 : memref<100000x128xf32, #tpu.memory_space<hbm>>) dst(%arg10 : memref<128x128xf32, #tpu.memory_space<vmem>>)
    %add3A_230 = arith.constant 128 : i32
    %add3A_231 = arith.addi %mul3A_2, %add3A_230 : i32
    %dma_start3A_232 = arith.constant 0 : i32
    %dma_start3A_233 = tpu.memref_slice %arg7[%add3A_231, %dma_start3A_232] : memref<16384x128xf32, #tpu.memory_space<hbm>> -> memref<128x128xf32, #tpu.memory_space<hbm>>
    %dma_start3A_234 = arith.constant 0 : i32
    %dma_start3A_235 = tpu.memref_slice %arg7[%add3A_231, %dma_start3A_234] : memref<16384x128xf32, #tpu.memory_space<hbm>> -> memref<128x128xf32, #tpu.memory_space<hbm>>
    tpu.enqueue_dma source(%arg10 : memref<128x128xf32, #tpu.memory_space<vmem>>) target(%dma_start3A_235 : memref<128x128xf32, #tpu.memory_space<hbm>>) target_semaphore(%arg14 : memref<!tpu.dma_semaphore, #tpu.memory_space<semaphore_mem>>)
    %dma_wait3A_236 = arith.constant 0 : i32
    %dma_wait3A_237 = tpu.memref_slice %arg6[%add3A_183, %dma_wait3A_236] : memref<16384x128xf32, #tpu.memory_space<hbm>> -> memref<128x128xf32, #tpu.memory_space<hbm>>
    %dma_wait3A_238 = arith.constant 0 : i32
    %dma_wait3A_239 = tpu.memref_slice %arg6[%add3A_183, %dma_wait3A_238] : memref<16384x128xf32, #tpu.memory_space<hbm>> -> memref<128x128xf32, #tpu.memory_space<hbm>>
    tpu.wait_dma2 semaphore(%arg14 : memref<!tpu.dma_semaphore, #tpu.memory_space<semaphore_mem>>) src(%arg12 : memref<128x128xf32, #tpu.memory_space<vmem>>) dst(%dma_wait3A_239 : memref<128x128xf32, #tpu.memory_space<hbm>>)
    %dma_start3A_240 = arith.constant 11 : i32
    %dma_start3A_241 = arith.constant 0 : i32
    %dma_start3A_242 = tpu.memref_slice %arg8[%dma_start3A_240, %dma_start3A_241] : memref<12x128xi32, #tpu.memory_space<vmem>> -> memref<1x128xi32, #tpu.memory_space<vmem>>
    %dma_start3A_243 = tpu.memref_squeeze %dma_start3A_242 : memref<1x128xi32, #tpu.memory_space<vmem>> -> memref<128xi32, #tpu.memory_space<vmem>>
    %dma_start3A_244 = arith.constant 0 : i32
    %dma_start3A_245 = arith.constant 0 : i32
    %dma_start3A_246 = tpu.memref_slice %arg4[%dma_start3A_244, %dma_start3A_245] : memref<100000x128xf32, #tpu.memory_space<hbm>> -> memref<100000x128xf32, #tpu.memory_space<hbm>>
    tpu.enqueue_indirect_dma source(%dma_start3A_246 : memref<100000x128xf32, #tpu.memory_space<hbm>>) target(%arg12 : memref<128x128xf32, #tpu.memory_space<vmem>>) offsets(%dma_start3A_243 : memref<128xi32, #tpu.memory_space<vmem>>) semaphore(%arg13 : memref<!tpu.dma_semaphore, #tpu.memory_space<semaphore_mem>>)
    %dma_wait3A_247 = arith.constant 10 : i32
    %dma_wait3A_248 = arith.constant 0 : i32
    %dma_wait3A_249 = tpu.memref_slice %arg8[%dma_wait3A_247, %dma_wait3A_248] : memref<12x128xi32, #tpu.memory_space<vmem>> -> memref<1x128xi32, #tpu.memory_space<vmem>>
    %dma_wait3A_250 = tpu.memref_squeeze %dma_wait3A_249 : memref<1x128xi32, #tpu.memory_space<vmem>> -> memref<128xi32, #tpu.memory_space<vmem>>
    %dma_wait3A_251 = arith.constant 0 : i32
    %dma_wait3A_252 = arith.constant 0 : i32
    %dma_wait3A_253 = tpu.memref_slice %arg4[%dma_wait3A_251, %dma_wait3A_252] : memref<100000x128xf32, #tpu.memory_space<hbm>> -> memref<100000x128xf32, #tpu.memory_space<hbm>>
    tpu.wait_indirect_dma semaphore(%arg13 : memref<!tpu.dma_semaphore, #tpu.memory_space<semaphore_mem>>) src(%dma_wait3A_253 : memref<100000x128xf32, #tpu.memory_space<hbm>>) dst(%arg11 : memref<128x128xf32, #tpu.memory_space<vmem>>)
    %add3A_254 = arith.constant 256 : i32
    %add3A_255 = arith.addi %mul3A_2, %add3A_254 : i32
    %dma_start3A_256 = arith.constant 0 : i32
    %dma_start3A_257 = tpu.memref_slice %arg7[%add3A_255, %dma_start3A_256] : memref<16384x128xf32, #tpu.memory_space<hbm>> -> memref<128x128xf32, #tpu.memory_space<hbm>>
    %dma_start3A_258 = arith.constant 0 : i32
    %dma_start3A_259 = tpu.memref_slice %arg7[%add3A_255, %dma_start3A_258] : memref<16384x128xf32, #tpu.memory_space<hbm>> -> memref<128x128xf32, #tpu.memory_space<hbm>>
    tpu.enqueue_dma source(%arg11 : memref<128x128xf32, #tpu.memory_space<vmem>>) target(%dma_start3A_259 : memref<128x128xf32, #tpu.memory_space<hbm>>) target_semaphore(%arg14 : memref<!tpu.dma_semaphore, #tpu.memory_space<semaphore_mem>>)
    %dma_wait3A_260 = arith.constant 11 : i32
    %dma_wait3A_261 = arith.constant 0 : i32
    %dma_wait3A_262 = tpu.memref_slice %arg8[%dma_wait3A_260, %dma_wait3A_261] : memref<12x128xi32, #tpu.memory_space<vmem>> -> memref<1x128xi32, #tpu.memory_space<vmem>>
    %dma_wait3A_263 = tpu.memref_squeeze %dma_wait3A_262 : memref<1x128xi32, #tpu.memory_space<vmem>> -> memref<128xi32, #tpu.memory_space<vmem>>
    %dma_wait3A_264 = arith.constant 0 : i32
    %dma_wait3A_265 = arith.constant 0 : i32
    %dma_wait3A_266 = tpu.memref_slice %arg4[%dma_wait3A_264, %dma_wait3A_265] : memref<100000x128xf32, #tpu.memory_space<hbm>> -> memref<100000x128xf32, #tpu.memory_space<hbm>>
    tpu.wait_indirect_dma semaphore(%arg13 : memref<!tpu.dma_semaphore, #tpu.memory_space<semaphore_mem>>) src(%dma_wait3A_266 : memref<100000x128xf32, #tpu.memory_space<hbm>>) dst(%arg12 : memref<128x128xf32, #tpu.memory_space<vmem>>)
    %add3A_267 = arith.constant 384 : i32
    %add3A_268 = arith.addi %mul3A_2, %add3A_267 : i32
    %dma_start3A_269 = arith.constant 0 : i32
    %dma_start3A_270 = tpu.memref_slice %arg7[%add3A_268, %dma_start3A_269] : memref<16384x128xf32, #tpu.memory_space<hbm>> -> memref<128x128xf32, #tpu.memory_space<hbm>>
    %dma_start3A_271 = arith.constant 0 : i32
    %dma_start3A_272 = tpu.memref_slice %arg7[%add3A_268, %dma_start3A_271] : memref<16384x128xf32, #tpu.memory_space<hbm>> -> memref<128x128xf32, #tpu.memory_space<hbm>>
    tpu.enqueue_dma source(%arg12 : memref<128x128xf32, #tpu.memory_space<vmem>>) target(%dma_start3A_272 : memref<128x128xf32, #tpu.memory_space<hbm>>) target_semaphore(%arg14 : memref<!tpu.dma_semaphore, #tpu.memory_space<semaphore_mem>>)
    %dma_wait3A_273 = arith.constant 0 : i32
    %dma_wait3A_274 = tpu.memref_slice %arg7[%add3A_207, %dma_wait3A_273] : memref<16384x128xf32, #tpu.memory_space<hbm>> -> memref<128x128xf32, #tpu.memory_space<hbm>>
    %dma_wait3A_275 = arith.constant 0 : i32
    %dma_wait3A_276 = tpu.memref_slice %arg7[%add3A_207, %dma_wait3A_275] : memref<16384x128xf32, #tpu.memory_space<hbm>> -> memref<128x128xf32, #tpu.memory_space<hbm>>
    tpu.wait_dma2 semaphore(%arg14 : memref<!tpu.dma_semaphore, #tpu.memory_space<semaphore_mem>>) src(%arg9 : memref<128x128xf32, #tpu.memory_space<vmem>>) dst(%dma_wait3A_276 : memref<128x128xf32, #tpu.memory_space<hbm>>)
    %dma_wait3A_277 = arith.constant 0 : i32
    %dma_wait3A_278 = tpu.memref_slice %arg7[%add3A_231, %dma_wait3A_277] : memref<16384x128xf32, #tpu.memory_space<hbm>> -> memref<128x128xf32, #tpu.memory_space<hbm>>
    %dma_wait3A_279 = arith.constant 0 : i32
    %dma_wait3A_280 = tpu.memref_slice %arg7[%add3A_231, %dma_wait3A_279] : memref<16384x128xf32, #tpu.memory_space<hbm>> -> memref<128x128xf32, #tpu.memory_space<hbm>>
    tpu.wait_dma2 semaphore(%arg14 : memref<!tpu.dma_semaphore, #tpu.memory_space<semaphore_mem>>) src(%arg10 : memref<128x128xf32, #tpu.memory_space<vmem>>) dst(%dma_wait3A_280 : memref<128x128xf32, #tpu.memory_space<hbm>>)
    %dma_wait3A_281 = arith.constant 0 : i32
    %dma_wait3A_282 = tpu.memref_slice %arg7[%add3A_255, %dma_wait3A_281] : memref<16384x128xf32, #tpu.memory_space<hbm>> -> memref<128x128xf32, #tpu.memory_space<hbm>>
    %dma_wait3A_283 = arith.constant 0 : i32
    %dma_wait3A_284 = tpu.memref_slice %arg7[%add3A_255, %dma_wait3A_283] : memref<16384x128xf32, #tpu.memory_space<hbm>> -> memref<128x128xf32, #tpu.memory_space<hbm>>
    tpu.wait_dma2 semaphore(%arg14 : memref<!tpu.dma_semaphore, #tpu.memory_space<semaphore_mem>>) src(%arg11 : memref<128x128xf32, #tpu.memory_space<vmem>>) dst(%dma_wait3A_284 : memref<128x128xf32, #tpu.memory_space<hbm>>)
    %dma_wait3A_285 = arith.constant 0 : i32
    %dma_wait3A_286 = tpu.memref_slice %arg7[%add3A_268, %dma_wait3A_285] : memref<16384x128xf32, #tpu.memory_space<hbm>> -> memref<128x128xf32, #tpu.memory_space<hbm>>
    %dma_wait3A_287 = arith.constant 0 : i32
    %dma_wait3A_288 = tpu.memref_slice %arg7[%add3A_268, %dma_wait3A_287] : memref<16384x128xf32, #tpu.memory_space<hbm>> -> memref<128x128xf32, #tpu.memory_space<hbm>>
    tpu.wait_dma2 semaphore(%arg14 : memref<!tpu.dma_semaphore, #tpu.memory_space<semaphore_mem>>) src(%arg12 : memref<128x128xf32, #tpu.memory_space<vmem>>) dst(%dma_wait3A_288 : memref<128x128xf32, #tpu.memory_space<hbm>>)
    return
  }
}

module attributes {stable_mosaic.version = 14 : i64} {
  func.func @_repack_body(%arg0: i32, %arg1: memref<64x4096xf32, #tpu.memory_space<vmem>>, %arg2: memref<64x4096xf32, #tpu.memory_space<vmem>>, %arg3: memref<64x4096xf32, #tpu.memory_space<vmem>>, %arg4: memref<64x4096xf32, #tpu.memory_space<vmem>>, %arg5: memref<64x4096xf32, #tpu.memory_space<vmem>>, %arg6: memref<64x4096xf32, #tpu.memory_space<vmem>>, %arg7: memref<4096x128xf32, #tpu.memory_space<vmem>>, %arg8: memref<4096x128xf32, #tpu.memory_space<vmem>>) attributes {dimension_semantics = [#tpu.dimension_semantics<arbitrary>], iteration_bounds = array<i64: 13>, scalar_prefetch = 0 : i64, scratch_operands = 0 : i64, tpu.core_type = #tpu.core_type<tc>, window_params = [{transform_indices = @transform_0, window_bounds = array<i64: 64, 4096>}, {transform_indices = @transform_1, window_bounds = array<i64: 64, 4096>}, {transform_indices = @transform_2, window_bounds = array<i64: 64, 4096>}, {transform_indices = @transform_3, window_bounds = array<i64: 64, 4096>}, {transform_indices = @transform_4, window_bounds = array<i64: 64, 4096>}, {transform_indices = @transform_5, window_bounds = array<i64: 64, 4096>}, {transform_indices = @transform_6, window_bounds = array<i64: 4096, 128>}, {transform_indices = @transform_7, window_bounds = array<i64: 4096, 128>}]} {
    %get3A = arith.constant 0 : index
    %get3A_0 = arith.constant 0 : index
    %get3A_1 = vector.load %arg1[%get3A, %get3A_0] : memref<64x4096xf32, #tpu.memory_space<vmem>>, vector<64x4096xf32>
    %transpose3A = tpu.transpose %get3A_1, [1, 0] : vector<64x4096xf32> -> vector<4096x64xf32>
    %swap3A = arith.constant 0 : index
    %swap3A_2 = arith.constant 0 : index
    %swap3A_3 = vector.load %arg7[%swap3A, %swap3A_2] : memref<4096x128xf32, #tpu.memory_space<vmem>>, vector<4096x64xf32>
    tpu.vector_store %arg7[%swap3A, %swap3A_2], %transpose3A {strides = array<i32>} : memref<4096x128xf32, #tpu.memory_space<vmem>>, vector<4096x64xf32>,
    %get3A_4 = arith.constant 0 : index
    %get3A_5 = arith.constant 0 : index
    %get3A_6 = vector.load %arg4[%get3A_4, %get3A_5] : memref<64x4096xf32, #tpu.memory_space<vmem>>, vector<64x4096xf32>
    %transpose3A_7 = tpu.transpose %get3A_6, [1, 0] : vector<64x4096xf32> -> vector<4096x64xf32>
    %swap3A_8 = arith.constant 0 : index
    %swap3A_9 = arith.constant 0 : index
    %swap3A_10 = vector.load %arg8[%swap3A_8, %swap3A_9] : memref<4096x128xf32, #tpu.memory_space<vmem>>, vector<4096x64xf32>
    tpu.vector_store %arg8[%swap3A_8, %swap3A_9], %transpose3A_7 {strides = array<i32>} : memref<4096x128xf32, #tpu.memory_space<vmem>>, vector<4096x64xf32>,
    %lt3A = arith.constant 11 : i32
    %lt3A_11 = arith.cmpi slt, %arg0, %lt3A : i32
    %convert_element_type3A = arith.extui %lt3A_11 : i1 to i32
    %cond3A = arith.constant 0 : i32
    %cond3A_12 = arith.cmpi ne, %convert_element_type3A, %cond3A : i32
    scf.if %cond3A_12 {
      %get3A_17 = arith.constant 0 : index
      %get3A_18 = arith.constant 0 : index
      %get3A_19 = vector.load %arg2[%get3A_17, %get3A_18] : memref<64x4096xf32, #tpu.memory_space<vmem>>, vector<64x4096xf32>
      %transpose3A_20 = tpu.transpose %get3A_19, [1, 0] : vector<64x4096xf32> -> vector<4096x64xf32>
      %swap3A_21 = arith.constant 0 : index
      %swap3A_22 = arith.constant 64 : index
      %swap3A_23 = vector.load %arg7[%swap3A_21, %swap3A_22] : memref<4096x128xf32, #tpu.memory_space<vmem>>, vector<4096x64xf32>
      tpu.vector_store %arg7[%swap3A_21, %swap3A_22], %transpose3A_20 {strides = array<i32>} : memref<4096x128xf32, #tpu.memory_space<vmem>>, vector<4096x64xf32>,
      %get3A_24 = arith.constant 0 : index
      %get3A_25 = arith.constant 0 : index
      %get3A_26 = vector.load %arg5[%get3A_24, %get3A_25] : memref<64x4096xf32, #tpu.memory_space<vmem>>, vector<64x4096xf32>
      %transpose3A_27 = tpu.transpose %get3A_26, [1, 0] : vector<64x4096xf32> -> vector<4096x64xf32>
      %swap3A_28 = arith.constant 0 : index
      %swap3A_29 = arith.constant 64 : index
      %swap3A_30 = vector.load %arg8[%swap3A_28, %swap3A_29] : memref<4096x128xf32, #tpu.memory_space<vmem>>, vector<4096x64xf32>
      tpu.vector_store %arg8[%swap3A_28, %swap3A_29], %transpose3A_27 {strides = array<i32>} : memref<4096x128xf32, #tpu.memory_space<vmem>>, vector<4096x64xf32>,
    } else {
    }
    %ge3A = arith.constant 11 : i32
    %ge3A_13 = arith.cmpi sge, %arg0, %ge3A : i32
    %convert_element_type3A_14 = arith.extui %ge3A_13 : i1 to i32
    %cond3A_15 = arith.constant 0 : i32
    %cond3A_16 = arith.cmpi ne, %convert_element_type3A_14, %cond3A_15 : i32
    scf.if %cond3A_16 {
      %get3A_17 = arith.constant 0 : index
      %get3A_18 = arith.constant 0 : index
      %get3A_19 = vector.load %arg3[%get3A_17, %get3A_18] : memref<64x4096xf32, #tpu.memory_space<vmem>>, vector<64x4096xf32>
      %transpose3A_20 = tpu.transpose %get3A_19, [1, 0] : vector<64x4096xf32> -> vector<4096x64xf32>
      %swap3A_21 = arith.constant 0 : index
      %swap3A_22 = arith.constant 64 : index
      %swap3A_23 = vector.load %arg7[%swap3A_21, %swap3A_22] : memref<4096x128xf32, #tpu.memory_space<vmem>>, vector<4096x64xf32>
      tpu.vector_store %arg7[%swap3A_21, %swap3A_22], %transpose3A_20 {strides = array<i32>} : memref<4096x128xf32, #tpu.memory_space<vmem>>, vector<4096x64xf32>,
      %get3A_24 = arith.constant 0 : index
      %get3A_25 = arith.constant 0 : index
      %get3A_26 = vector.load %arg6[%get3A_24, %get3A_25] : memref<64x4096xf32, #tpu.memory_space<vmem>>, vector<64x4096xf32>
      %transpose3A_27 = tpu.transpose %get3A_26, [1, 0] : vector<64x4096xf32> -> vector<4096x64xf32>
      %swap3A_28 = arith.constant 0 : index
      %swap3A_29 = arith.constant 64 : index
      %swap3A_30 = vector.load %arg8[%swap3A_28, %swap3A_29] : memref<4096x128xf32, #tpu.memory_space<vmem>>, vector<4096x64xf32>
      tpu.vector_store %arg8[%swap3A_28, %swap3A_29], %transpose3A_27 {strides = array<i32>} : memref<4096x128xf32, #tpu.memory_space<vmem>>, vector<4096x64xf32>,
    } else {
    }
    return
  }
  func.func @transform_0(%arg0: i32) -> (i32, i32) {
    %c0_i32 = arith.constant 0 : i32
    %c0_i32_0 = arith.constant 0 : i32
    return %c0_i32, %arg0 : i32, i32
  }
  func.func @transform_1(%arg0: i32) -> (i32, i32) {
    %add3A = arith.constant 13 : i32
    %add3A_0 = arith.addi %arg0, %add3A : i32
    %min3A = arith.constant 23 : i32
    %min3A_1 = arith.minsi %add3A_0, %min3A : i32
    %c0_i32 = arith.constant 0 : i32
    %c0_i32_2 = arith.constant 0 : i32
    return %c0_i32, %min3A_1 : i32, i32
  }
  func.func @transform_2(%arg0: i32) -> (i32, i32) {
    %sub3A = arith.constant 11 : i32
    %sub3A_0 = arith.subi %arg0, %sub3A : i32
    %jit3A = arith.constant 0 : i32
    %jit3A_1 = arith.constant 1 : i32
    %max3A = arith.maxsi %jit3A, %sub3A_0 : i32
    %min3A = arith.minsi %jit3A_1, %max3A : i32
    %c0_i32 = arith.constant 0 : i32
    %c0_i32_2 = arith.constant 0 : i32
    return %c0_i32, %min3A : i32, i32
  }
  func.func @transform_3(%arg0: i32) -> (i32, i32) {
    %c0_i32 = arith.constant 0 : i32
    %c0_i32_0 = arith.constant 0 : i32
    return %c0_i32, %arg0 : i32, i32
  }
  func.func @transform_4(%arg0: i32) -> (i32, i32) {
    %add3A = arith.constant 13 : i32
    %add3A_0 = arith.addi %arg0, %add3A : i32
    %min3A = arith.constant 23 : i32
    %min3A_1 = arith.minsi %add3A_0, %min3A : i32
    %c0_i32 = arith.constant 0 : i32
    %c0_i32_2 = arith.constant 0 : i32
    return %c0_i32, %min3A_1 : i32, i32
  }
  func.func @transform_5(%arg0: i32) -> (i32, i32) {
    %sub3A = arith.constant 11 : i32
    %sub3A_0 = arith.subi %arg0, %sub3A : i32
    %jit3A = arith.constant 0 : i32
    %jit3A_1 = arith.constant 1 : i32
    %max3A = arith.maxsi %jit3A, %sub3A_0 : i32
    %min3A = arith.minsi %jit3A_1, %max3A : i32
    %c0_i32 = arith.constant 0 : i32
    %c0_i32_2 = arith.constant 0 : i32
    return %c0_i32, %min3A : i32, i32
  }
  func.func @transform_6(%arg0: i32) -> (i32, i32) {
    %c0_i32 = arith.constant 0 : i32
    %c0_i32_0 = arith.constant 0 : i32
    return %arg0, %c0_i32 : i32, i32
  }
  func.func @transform_7(%arg0: i32) -> (i32, i32) {
    %c0_i32 = arith.constant 0 : i32
    %c0_i32_0 = arith.constant 0 : i32
    return %arg0, %c0_i32 : i32, i32
  }
}

module attributes {stable_mosaic.version = 14 : i64} {
  func.func @_tc_body(%arg0: i32, %arg1: memref<2048x128xf32, #tpu.memory_space<vmem>>, %arg2: memref<2048x128xf32, #tpu.memory_space<vmem>>, %arg3: memref<2048x128xf32, #tpu.memory_space<vmem>>, %arg4: memref<2048x128xf32, #tpu.memory_space<vmem>>, %arg5: memref<2048x128xf32, #tpu.memory_space<vmem>>, %arg6: memref<2048x128xf32, #tpu.memory_space<vmem>>, %arg7: memref<3x2048xf32, #tpu.memory_space<vmem>>, %arg8: memref<128x128xf32, #tpu.memory_space<vmem>>, %arg9: memref<128x128xf32, #tpu.memory_space<vmem>>, %arg10: memref<1x128xf32, #tpu.memory_space<vmem>>, %arg11: memref<128x64xf32, #tpu.memory_space<vmem>>, %arg12: memref<1x64xf32, #tpu.memory_space<vmem>>, %arg13: memref<64x32xf32, #tpu.memory_space<vmem>>, %arg14: memref<1x32xf32, #tpu.memory_space<vmem>>, %arg15: memref<64x1xf32, #tpu.memory_space<vmem>>, %arg16: memref<32x1xf32, #tpu.memory_space<vmem>>, %arg17: memref<1x1xf32, #tpu.memory_space<vmem>>, %arg18: memref<1x1xf32, #tpu.memory_space<vmem>>) attributes {dimension_semantics = [#tpu.dimension_semantics<arbitrary>], iteration_bounds = array<i64: 8>, scalar_prefetch = 0 : i64, scratch_operands = 0 : i64, tpu.core_type = #tpu.core_type<tc>, window_params = [{transform_indices = @transform_0, window_bounds = array<i64: 2048, 128>}, {transform_indices = @transform_1, window_bounds = array<i64: 2048, 128>}, {transform_indices = @transform_2, window_bounds = array<i64: 2048, 128>}, {transform_indices = @transform_3, window_bounds = array<i64: 2048, 128>}, {transform_indices = @transform_4, window_bounds = array<i64: 2048, 128>}, {transform_indices = @transform_5, window_bounds = array<i64: 2048, 128>}, {transform_indices = @transform_6, window_bounds = array<i64: 3, 2048>}, {pipeline_mode = #tpu.pipeline_mode<synchronous>, transform_indices = @transform_7, window_bounds = array<i64: 128, 128>}, {pipeline_mode = #tpu.pipeline_mode<synchronous>, transform_indices = @transform_8, window_bounds = array<i64: 128, 128>}, {pipeline_mode = #tpu.pipeline_mode<synchronous>, transform_indices = @transform_9, window_bounds = array<i64: 1, 128>}, {pipeline_mode = #tpu.pipeline_mode<synchronous>, transform_indices = @transform_10, window_bounds = array<i64: 128, 64>}, {pipeline_mode = #tpu.pipeline_mode<synchronous>, transform_indices = @transform_11, window_bounds = array<i64: 1, 64>}, {pipeline_mode = #tpu.pipeline_mode<synchronous>, transform_indices = @transform_12, window_bounds = array<i64: 64, 32>}, {pipeline_mode = #tpu.pipeline_mode<synchronous>, transform_indices = @transform_13, window_bounds = array<i64: 1, 32>}, {pipeline_mode = #tpu.pipeline_mode<synchronous>, transform_indices = @transform_14, window_bounds = array<i64: 64, 1>}, {pipeline_mode = #tpu.pipeline_mode<synchronous>, transform_indices = @transform_15, window_bounds = array<i64: 32, 1>}, {pipeline_mode = #tpu.pipeline_mode<synchronous>, transform_indices = @transform_16, window_bounds = array<i64: 1, 1>}, {pipeline_mode = #tpu.pipeline_mode<synchronous>, transform_indices = @transform_17, window_bounds = array<i64: 1, 1>}]} {
    %get3A = arith.constant 0 : index
    %get3A_0 = arith.constant 0 : index
    %get3A_1 = vector.load %arg7[%get3A, %get3A_0] : memref<3x2048xf32, #tpu.memory_space<vmem>>, vector<3x2048xf32>
    %transpose3A = tpu.transpose %get3A_1, [1, 0] : vector<3x2048xf32> -> vector<2048x3xf32>
    %get3A_2 = arith.constant 0 : index
    %get3A_3 = arith.constant 0 : index
    %get3A_4 = vector.load %arg8[%get3A_2, %get3A_3] : memref<128x128xf32, #tpu.memory_space<vmem>>, vector<128x128xf32>
    %get3A_5 = arith.constant 0 : index
    %get3A_6 = arith.constant 0 : index
    %get3A_7 = vector.load %arg9[%get3A_5, %get3A_6] : memref<128x128xf32, #tpu.memory_space<vmem>>, vector<128x128xf32>
    %get3A_8 = arith.constant 0 : index
    %get3A_9 = arith.constant 0 : index
    %get3A_10 = vector.load %arg10[%get3A_8, %get3A_9] : memref<1x128xf32, #tpu.memory_space<vmem>>, vector<1x128xf32>
    %get3A_11 = arith.constant 0 : index
    %get3A_12 = arith.constant 0 : index
    %get3A_13 = vector.load %arg11[%get3A_11, %get3A_12] : memref<128x64xf32, #tpu.memory_space<vmem>>, vector<128x64xf32>
    %get3A_14 = arith.constant 0 : index
    %get3A_15 = arith.constant 0 : index
    %get3A_16 = vector.load %arg12[%get3A_14, %get3A_15] : memref<1x64xf32, #tpu.memory_space<vmem>>, vector<1x64xf32>
    %get3A_17 = arith.constant 0 : index
    %get3A_18 = arith.constant 0 : index
    %get3A_19 = vector.load %arg13[%get3A_17, %get3A_18] : memref<64x32xf32, #tpu.memory_space<vmem>>, vector<64x32xf32>
    %get3A_20 = arith.constant 0 : index
    %get3A_21 = arith.constant 0 : index
    %get3A_22 = vector.load %arg14[%get3A_20, %get3A_21] : memref<1x32xf32, #tpu.memory_space<vmem>>, vector<1x32xf32>
    %get3A_23 = arith.constant 0 : index
    %get3A_24 = arith.constant 0 : index
    %get3A_25 = vector.load %arg15[%get3A_23, %get3A_24] : memref<64x1xf32, #tpu.memory_space<vmem>>, vector<64x1xf32>
    %get3A_26 = arith.constant 0 : index
    %get3A_27 = arith.constant 0 : index
    %get3A_28 = vector.load %arg16[%get3A_26, %get3A_27] : memref<32x1xf32, #tpu.memory_space<vmem>>, vector<32x1xf32>
    %get3A_29 = arith.constant 0 : index
    %get3A_30 = arith.constant 0 : index
    %get3A_31 = vector.load %arg17[%get3A_29, %get3A_30] : memref<1x1xf32, #tpu.memory_space<vmem>>, vector<1x1xf32>
    %get3A_32 = arith.constant 0 : index
    %get3A_33 = arith.constant 0 : index
    %get3A_34 = vector.load %arg1[%get3A_32, %get3A_33] : memref<2048x128xf32, #tpu.memory_space<vmem>>, vector<2048x128xf32>
    %slice3A = vector.extract_strided_slice %transpose3A {offsets = [0, 0], sizes = [2048, 1], strides = [1, 1]} : vector<2048x3xf32> to vector<2048x1xf32>
    %eq3A = arith.constant 1.000000e+00 : f32
    %eq3A_35 = vector.broadcast %eq3A : f32 to vector<2048x1xf32>
    %eq3A_36 = arith.cmpf oeq, %slice3A, %eq3A_35 : vector<2048x1xf32>
    %slice3A_37 = vector.extract_strided_slice %get3A_34 {offsets = [0, 64], sizes = [2048, 64], strides = [1, 1]} : vector<2048x128xf32> to vector<2048x64xf32>
    %slice3A_38 = vector.extract_strided_slice %get3A_34 {offsets = [0, 0], sizes = [2048, 64], strides = [1, 1]} : vector<2048x128xf32> to vector<2048x64xf32>
    %broadcast_in_dim3A = vector.shape_cast %eq3A_36 : vector<2048x1xi1> to vector<2048x1xi1>
    %broadcast_in_dim3A_39 = vector.broadcast %broadcast_in_dim3A : vector<2048x1xi1> to vector<2048x64xi1>
    %select_n3A = arith.select %broadcast_in_dim3A_39, %slice3A_37, %slice3A_38 : vector<2048x64xi1>, vector<2048x64xf32>
    %get3A_40 = arith.constant 0 : index
    %get3A_41 = arith.constant 0 : index
    %get3A_42 = vector.load %arg4[%get3A_40, %get3A_41] : memref<2048x128xf32, #tpu.memory_space<vmem>>, vector<2048x128xf32>
    %dot_general3A = arith.constant dense<0.000000e+00> : vector<2048x128xf32>
    %dot_general3A_43 = tpu.matmul %get3A_42, %get3A_4, %dot_general3A {dimension_numbers = #tpu.dot_dimension_numbers<[1], [0], [0], [1], [0, 0, 1, 1], [], []>, transpose_lhs_hint = false} : vector<2048x128xf32>, vector<128x128xf32>, vector<2048x128xf32> -> vector<2048x128xf32>
    %get3A_44 = arith.constant 0 : index
    %get3A_45 = arith.constant 0 : index
    %get3A_46 = vector.load %arg2[%get3A_44, %get3A_45] : memref<2048x128xf32, #tpu.memory_space<vmem>>, vector<2048x128xf32>
    %slice3A_47 = vector.extract_strided_slice %transpose3A {offsets = [0, 1], sizes = [2048, 1], strides = [1, 1]} : vector<2048x3xf32> to vector<2048x1xf32>
    %eq3A_48 = arith.constant 1.000000e+00 : f32
    %eq3A_49 = vector.broadcast %eq3A_48 : f32 to vector<2048x1xf32>
    %eq3A_50 = arith.cmpf oeq, %slice3A_47, %eq3A_49 : vector<2048x1xf32>
    %slice3A_51 = vector.extract_strided_slice %get3A_46 {offsets = [0, 64], sizes = [2048, 64], strides = [1, 1]} : vector<2048x128xf32> to vector<2048x64xf32>
    %slice3A_52 = vector.extract_strided_slice %get3A_46 {offsets = [0, 0], sizes = [2048, 64], strides = [1, 1]} : vector<2048x128xf32> to vector<2048x64xf32>
    %broadcast_in_dim3A_53 = vector.shape_cast %eq3A_50 : vector<2048x1xi1> to vector<2048x1xi1>
    %broadcast_in_dim3A_54 = vector.broadcast %broadcast_in_dim3A_53 : vector<2048x1xi1> to vector<2048x64xi1>
    %select_n3A_55 = arith.select %broadcast_in_dim3A_54, %slice3A_51, %slice3A_52 : vector<2048x64xi1>, vector<2048x64xf32>
    %get3A_56 = arith.constant 0 : index
    %get3A_57 = arith.constant 0 : index
    %get3A_58 = vector.load %arg5[%get3A_56, %get3A_57] : memref<2048x128xf32, #tpu.memory_space<vmem>>, vector<2048x128xf32>
    %dot_general3A_59 = arith.constant dense<0.000000e+00> : vector<2048x128xf32>
    %dot_general3A_60 = tpu.matmul %get3A_58, %get3A_7, %dot_general3A_59 {dimension_numbers = #tpu.dot_dimension_numbers<[1], [0], [0], [1], [0, 0, 1, 1], [], []>, transpose_lhs_hint = false} : vector<2048x128xf32>, vector<128x128xf32>, vector<2048x128xf32> -> vector<2048x128xf32>
    %add3A = arith.addf %dot_general3A_43, %dot_general3A_60 : vector<2048x128xf32>
    %add3A_61 = vector.broadcast %get3A_10 : vector<1x128xf32> to vector<2048x128xf32>
    %add3A_62 = arith.addf %add3A, %add3A_61 : vector<2048x128xf32>
    %max3A = arith.constant 0.000000e+00 : f32
    %max3A_63 = vector.broadcast %max3A : f32 to vector<2048x128xf32>
    %max3A_64 = arith.maximumf %add3A_62, %max3A_63 : vector<2048x128xf32>
    %dot_general3A_65 = arith.constant dense<0.000000e+00> : vector<2048x64xf32>
    %dot_general3A_66 = tpu.matmul %max3A_64, %get3A_13, %dot_general3A_65 {dimension_numbers = #tpu.dot_dimension_numbers<[1], [0], [0], [1], [0, 0, 1, 1], [], []>, transpose_lhs_hint = false} : vector<2048x128xf32>, vector<128x64xf32>, vector<2048x64xf32> -> vector<2048x64xf32>
    %add3A_67 = vector.broadcast %get3A_16 : vector<1x64xf32> to vector<2048x64xf32>
    %add3A_68 = arith.addf %dot_general3A_66, %add3A_67 : vector<2048x64xf32>
    %max3A_69 = arith.constant 0.000000e+00 : f32
    %max3A_70 = vector.broadcast %max3A_69 : f32 to vector<2048x64xf32>
    %max3A_71 = arith.maximumf %add3A_68, %max3A_70 : vector<2048x64xf32>
    %dot_general3A_72 = arith.constant dense<0.000000e+00> : vector<2048x32xf32>
    %dot_general3A_73 = tpu.matmul %max3A_71, %get3A_19, %dot_general3A_72 {dimension_numbers = #tpu.dot_dimension_numbers<[1], [0], [0], [1], [0, 0, 1, 1], [], []>, transpose_lhs_hint = false} : vector<2048x64xf32>, vector<64x32xf32>, vector<2048x32xf32> -> vector<2048x32xf32>
    %add3A_74 = vector.broadcast %get3A_22 : vector<1x32xf32> to vector<2048x32xf32>
    %add3A_75 = arith.addf %dot_general3A_73, %add3A_74 : vector<2048x32xf32>
    %max3A_76 = arith.constant 0.000000e+00 : f32
    %max3A_77 = vector.broadcast %max3A_76 : f32 to vector<2048x32xf32>
    %max3A_78 = arith.maximumf %add3A_75, %max3A_77 : vector<2048x32xf32>
    %mul3A = arith.mulf %select_n3A, %select_n3A_55 : vector<2048x64xf32>
    %dot_general3A_79 = arith.constant dense<0.000000e+00> : vector<2048x1xf32>
    %dot_general3A_80 = tpu.matmul %mul3A, %get3A_25, %dot_general3A_79 {dimension_numbers = #tpu.dot_dimension_numbers<[1], [0], [0], [1], [0, 0, 1, 1], [], []>, transpose_lhs_hint = false} : vector<2048x64xf32>, vector<64x1xf32>, vector<2048x1xf32> -> vector<2048x1xf32>
    %dot_general3A_81 = arith.constant dense<0.000000e+00> : vector<2048x1xf32>
    %dot_general3A_82 = tpu.matmul %max3A_78, %get3A_28, %dot_general3A_81 {dimension_numbers = #tpu.dot_dimension_numbers<[1], [0], [0], [1], [0, 0, 1, 1], [], []>, transpose_lhs_hint = false} : vector<2048x32xf32>, vector<32x1xf32>, vector<2048x1xf32> -> vector<2048x1xf32>
    %add3A_83 = arith.addf %dot_general3A_80, %dot_general3A_82 : vector<2048x1xf32>
    %add3A_84 = vector.broadcast %get3A_31 : vector<1x1xf32> to vector<2048x1xf32>
    %add3A_85 = arith.addf %add3A_83, %add3A_84 : vector<2048x1xf32>
    %logistic3A = arith.negf %add3A_85 : vector<2048x1xf32>
    %logistic3A_86 = math.exp %logistic3A : vector<2048x1xf32>
    %logistic3A_87 = arith.constant 1.000000e+00 : f32
    %logistic3A_88 = vector.broadcast %logistic3A_87 : f32 to vector<2048x1xf32>
    %logistic3A_89 = arith.addf %logistic3A_88, %logistic3A_86 : vector<2048x1xf32>
    %logistic3A_90 = arith.divf %logistic3A_88, %logistic3A_89 : vector<2048x1xf32>
    %get3A_91 = arith.constant 0 : index
    %get3A_92 = arith.constant 0 : index
    %get3A_93 = vector.load %arg3[%get3A_91, %get3A_92] : memref<2048x128xf32, #tpu.memory_space<vmem>>, vector<2048x128xf32>
    %slice3A_94 = vector.extract_strided_slice %transpose3A {offsets = [0, 2], sizes = [2048, 1], strides = [1, 1]} : vector<2048x3xf32> to vector<2048x1xf32>
    %eq3A_95 = arith.constant 1.000000e+00 : f32
    %eq3A_96 = vector.broadcast %eq3A_95 : f32 to vector<2048x1xf32>
    %eq3A_97 = arith.cmpf oeq, %slice3A_94, %eq3A_96 : vector<2048x1xf32>
    %slice3A_98 = vector.extract_strided_slice %get3A_93 {offsets = [0, 64], sizes = [2048, 64], strides = [1, 1]} : vector<2048x128xf32> to vector<2048x64xf32>
    %slice3A_99 = vector.extract_strided_slice %get3A_93 {offsets = [0, 0], sizes = [2048, 64], strides = [1, 1]} : vector<2048x128xf32> to vector<2048x64xf32>
    %broadcast_in_dim3A_100 = vector.shape_cast %eq3A_97 : vector<2048x1xi1> to vector<2048x1xi1>
    %broadcast_in_dim3A_101 = vector.broadcast %broadcast_in_dim3A_100 : vector<2048x1xi1> to vector<2048x64xi1>
    %select_n3A_102 = arith.select %broadcast_in_dim3A_101, %slice3A_98, %slice3A_99 : vector<2048x64xi1>, vector<2048x64xf32>
    %get3A_103 = arith.constant 0 : index
    %get3A_104 = arith.constant 0 : index
    %get3A_105 = vector.load %arg6[%get3A_103, %get3A_104] : memref<2048x128xf32, #tpu.memory_space<vmem>>, vector<2048x128xf32>
    %dot_general3A_106 = arith.constant dense<0.000000e+00> : vector<2048x128xf32>
    %dot_general3A_107 = tpu.matmul %get3A_105, %get3A_7, %dot_general3A_106 {dimension_numbers = #tpu.dot_dimension_numbers<[1], [0], [0], [1], [0, 0, 1, 1], [], []>, transpose_lhs_hint = false} : vector<2048x128xf32>, vector<128x128xf32>, vector<2048x128xf32> -> vector<2048x128xf32>
    %add3A_108 = arith.addf %dot_general3A_43, %dot_general3A_107 : vector<2048x128xf32>
    %add3A_109 = vector.broadcast %get3A_10 : vector<1x128xf32> to vector<2048x128xf32>
    %add3A_110 = arith.addf %add3A_108, %add3A_109 : vector<2048x128xf32>
    %max3A_111 = arith.constant 0.000000e+00 : f32
    %max3A_112 = vector.broadcast %max3A_111 : f32 to vector<2048x128xf32>
    %max3A_113 = arith.maximumf %add3A_110, %max3A_112 : vector<2048x128xf32>
    %dot_general3A_114 = arith.constant dense<0.000000e+00> : vector<2048x64xf32>
    %dot_general3A_115 = tpu.matmul %max3A_113, %get3A_13, %dot_general3A_114 {dimension_numbers = #tpu.dot_dimension_numbers<[1], [0], [0], [1], [0, 0, 1, 1], [], []>, transpose_lhs_hint = false} : vector<2048x128xf32>, vector<128x64xf32>, vector<2048x64xf32> -> vector<2048x64xf32>
    %add3A_116 = vector.broadcast %get3A_16 : vector<1x64xf32> to vector<2048x64xf32>
    %add3A_117 = arith.addf %dot_general3A_115, %add3A_116 : vector<2048x64xf32>
    %max3A_118 = arith.constant 0.000000e+00 : f32
    %max3A_119 = vector.broadcast %max3A_118 : f32 to vector<2048x64xf32>
    %max3A_120 = arith.maximumf %add3A_117, %max3A_119 : vector<2048x64xf32>
    %dot_general3A_121 = arith.constant dense<0.000000e+00> : vector<2048x32xf32>
    %dot_general3A_122 = tpu.matmul %max3A_120, %get3A_19, %dot_general3A_121 {dimension_numbers = #tpu.dot_dimension_numbers<[1], [0], [0], [1], [0, 0, 1, 1], [], []>, transpose_lhs_hint = false} : vector<2048x64xf32>, vector<64x32xf32>, vector<2048x32xf32> -> vector<2048x32xf32>
    %add3A_123 = vector.broadcast %get3A_22 : vector<1x32xf32> to vector<2048x32xf32>
    %add3A_124 = arith.addf %dot_general3A_122, %add3A_123 : vector<2048x32xf32>
    %max3A_125 = arith.constant 0.000000e+00 : f32
    %max3A_126 = vector.broadcast %max3A_125 : f32 to vector<2048x32xf32>
    %max3A_127 = arith.maximumf %add3A_124, %max3A_126 : vector<2048x32xf32>
    %mul3A_128 = arith.mulf %select_n3A, %select_n3A_102 : vector<2048x64xf32>
    %dot_general3A_129 = arith.constant dense<0.000000e+00> : vector<2048x1xf32>
    %dot_general3A_130 = tpu.matmul %mul3A_128, %get3A_25, %dot_general3A_129 {dimension_numbers = #tpu.dot_dimension_numbers<[1], [0], [0], [1], [0, 0, 1, 1], [], []>, transpose_lhs_hint = false} : vector<2048x64xf32>, vector<64x1xf32>, vector<2048x1xf32> -> vector<2048x1xf32>
    %dot_general3A_131 = arith.constant dense<0.000000e+00> : vector<2048x1xf32>
    %dot_general3A_132 = tpu.matmul %max3A_127, %get3A_28, %dot_general3A_131 {dimension_numbers = #tpu.dot_dimension_numbers<[1], [0], [0], [1], [0, 0, 1, 1], [], []>, transpose_lhs_hint = false} : vector<2048x32xf32>, vector<32x1xf32>, vector<2048x1xf32> -> vector<2048x1xf32>
    %add3A_133 = arith.addf %dot_general3A_130, %dot_general3A_132 : vector<2048x1xf32>
    %add3A_134 = vector.broadcast %get3A_31 : vector<1x1xf32> to vector<2048x1xf32>
    %add3A_135 = arith.addf %add3A_133, %add3A_134 : vector<2048x1xf32>
    %logistic3A_136 = arith.negf %add3A_135 : vector<2048x1xf32>
    %logistic3A_137 = math.exp %logistic3A_136 : vector<2048x1xf32>
    %logistic3A_138 = arith.constant 1.000000e+00 : f32
    %logistic3A_139 = vector.broadcast %logistic3A_138 : f32 to vector<2048x1xf32>
    %logistic3A_140 = arith.addf %logistic3A_139, %logistic3A_137 : vector<2048x1xf32>
    %logistic3A_141 = arith.divf %logistic3A_139, %logistic3A_140 : vector<2048x1xf32>
    %sub3A = arith.subf %logistic3A_141, %logistic3A_90 : vector<2048x1xf32>
    %custom_jvp_call3A = arith.constant 0.000000e+00 : f32
    %max3A_142 = vector.broadcast %custom_jvp_call3A : f32 to vector<2048x1xf32>
    %max3A_143 = arith.maximumf %sub3A, %max3A_142 : vector<2048x1xf32>
    %sub3A_144 = vector.broadcast %custom_jvp_call3A : f32 to vector<2048x1xf32>
    %sub3A_145 = arith.subf %sub3A, %sub3A_144 : vector<2048x1xf32>
    %ne3A = arith.cmpf one, %sub3A_145, %sub3A_145 : vector<2048x1xf32>
    %add3A_146 = vector.broadcast %custom_jvp_call3A : f32 to vector<2048x1xf32>
    %add3A_147 = arith.addf %sub3A, %add3A_146 : vector<2048x1xf32>
    %abs3A = math.absf %sub3A_145 : vector<2048x1xf32>
    %neg3A = arith.constant 0.000000e+00 : f32
    %neg3A_148 = vector.broadcast %neg3A : f32 to vector<2048x1xf32>
    %neg3A_149 = arith.subf %neg3A_148, %abs3A : vector<2048x1xf32>
    %exp3A = math.exp %neg3A_149 : vector<2048x1xf32>
    %log1p3A = math.log1p %exp3A : vector<2048x1xf32>
    %add3A_150 = arith.addf %max3A_143, %log1p3A : vector<2048x1xf32>
    %select_n3A_151 = arith.select %ne3A, %add3A_147, %add3A_150 : vector<2048x1xi1>, vector<2048x1xf32>
    %reduce_sum3A = vector.shape_cast %select_n3A_151 : vector<2048x1xf32> to vector<1x2048x1xf32>
    %reduce_sum3A_152 = arith.constant dense<0.000000e+00> : vector<1xf32>
    %reduce_sum3A_153 = vector.multi_reduction <add>, %reduce_sum3A, %reduce_sum3A_152 [1, 2] : vector<1x2048x1xf32> to vector<1xf32>
    %reduce_sum3A_154 = vector.shape_cast %reduce_sum3A_153 : vector<1xf32> to vector<1x1x1xf32>
    %reduce_sum3A_155 = vector.extract %reduce_sum3A_154[0, 0, 0] : f32 from vector<1x1x1xf32>
    %mul3A_156 = arith.constant 6.10351563E-5 : f32
    %mul3A_157 = arith.mulf %reduce_sum3A_155, %mul3A_156 : f32
    %eq3A_158 = arith.constant 0 : i32
    %eq3A_159 = arith.cmpi eq, %arg0, %eq3A_158 : i32
    %convert_element_type3A = arith.extui %eq3A_159 : i1 to i32
    %cond3A = arith.constant 0 : i32
    %cond3A_160 = arith.cmpi ne, %convert_element_type3A, %cond3A : i32
    scf.if %cond3A_160 {
      %broadcast_in_dim3A_168 = arith.constant 0.000000e+00 : f32
      %broadcast_in_dim3A_169 = vector.broadcast %broadcast_in_dim3A_168 : f32 to vector<1x1xf32>
      %swap3A_170 = arith.constant 0 : index
      %swap3A_171 = arith.constant 0 : index
      %swap3A_172 = vector.load %arg18[%swap3A_170, %swap3A_171] : memref<1x1xf32, #tpu.memory_space<vmem>>, vector<1x1xf32>
      tpu.vector_store %arg18[%swap3A_170, %swap3A_171], %broadcast_in_dim3A_169 {strides = array<i32>} : memref<1x1xf32, #tpu.memory_space<vmem>>, vector<1x1xf32>,
    } else {
    }
    %get3A_161 = arith.constant 0 : index
    %get3A_162 = arith.constant 0 : index
    %get3A_163 = vector.load %arg18[%get3A_161, %get3A_162] : memref<1x1xf32, #tpu.memory_space<vmem>>, vector<1x1xf32>
    %add3A_164 = vector.broadcast %mul3A_157 : f32 to vector<1x1xf32>
    %add3A_165 = arith.addf %get3A_163, %add3A_164 : vector<1x1xf32>
    %swap3A = arith.constant 0 : index
    %swap3A_166 = arith.constant 0 : index
    %swap3A_167 = vector.load %arg18[%swap3A, %swap3A_166] : memref<1x1xf32, #tpu.memory_space<vmem>>, vector<1x1xf32>
    tpu.vector_store %arg18[%swap3A, %swap3A_166], %add3A_165 {strides = array<i32>} : memref<1x1xf32, #tpu.memory_space<vmem>>, vector<1x1xf32>,
    return
  }
  func.func @transform_0(%arg0: i32) -> (i32, i32) {
    %c0_i32 = arith.constant 0 : i32
    %c0_i32_0 = arith.constant 0 : i32
    return %arg0, %c0_i32 : i32, i32
  }
  func.func @transform_1(%arg0: i32) -> (i32, i32) {
    %c0_i32 = arith.constant 0 : i32
    %c0_i32_0 = arith.constant 0 : i32
    return %arg0, %c0_i32 : i32, i32
  }
  func.func @transform_2(%arg0: i32) -> (i32, i32) {
    %c0_i32 = arith.constant 0 : i32
    %c0_i32_0 = arith.constant 0 : i32
    return %arg0, %c0_i32 : i32, i32
  }
  func.func @transform_3(%arg0: i32) -> (i32, i32) {
    %c0_i32 = arith.constant 0 : i32
    %c0_i32_0 = arith.constant 0 : i32
    return %arg0, %c0_i32 : i32, i32
  }
  func.func @transform_4(%arg0: i32) -> (i32, i32) {
    %c0_i32 = arith.constant 0 : i32
    %c0_i32_0 = arith.constant 0 : i32
    return %arg0, %c0_i32 : i32, i32
  }
  func.func @transform_5(%arg0: i32) -> (i32, i32) {
    %c0_i32 = arith.constant 0 : i32
    %c0_i32_0 = arith.constant 0 : i32
    return %arg0, %c0_i32 : i32, i32
  }
  func.func @transform_6(%arg0: i32) -> (i32, i32) {
    %c0_i32 = arith.constant 0 : i32
    %c0_i32_0 = arith.constant 0 : i32
    return %c0_i32, %arg0 : i32, i32
  }
  func.func @transform_7(%arg0: i32) -> (i32, i32) {
    %c0_i32 = arith.constant 0 : i32
    %c0_i32_0 = arith.constant 0 : i32
    %c0_i32_1 = arith.constant 0 : i32
    return %c0_i32, %c0_i32_0 : i32, i32
  }
  func.func @transform_8(%arg0: i32) -> (i32, i32) {
    %c0_i32 = arith.constant 0 : i32
    %c0_i32_0 = arith.constant 0 : i32
    %c0_i32_1 = arith.constant 0 : i32
    return %c0_i32, %c0_i32_0 : i32, i32
  }
  func.func @transform_9(%arg0: i32) -> (i32, i32) {
    %c0_i32 = arith.constant 0 : i32
    %c0_i32_0 = arith.constant 0 : i32
    %c0_i32_1 = arith.constant 0 : i32
    return %c0_i32, %c0_i32_0 : i32, i32
  }
  func.func @transform_10(%arg0: i32) -> (i32, i32) {
    %c0_i32 = arith.constant 0 : i32
    %c0_i32_0 = arith.constant 0 : i32
    %c0_i32_1 = arith.constant 0 : i32
    return %c0_i32, %c0_i32_0 : i32, i32
  }
  func.func @transform_11(%arg0: i32) -> (i32, i32) {
    %c0_i32 = arith.constant 0 : i32
    %c0_i32_0 = arith.constant 0 : i32
    %c0_i32_1 = arith.constant 0 : i32
    return %c0_i32, %c0_i32_0 : i32, i32
  }
  func.func @transform_12(%arg0: i32) -> (i32, i32) {
    %c0_i32 = arith.constant 0 : i32
    %c0_i32_0 = arith.constant 0 : i32
    %c0_i32_1 = arith.constant 0 : i32
    return %c0_i32, %c0_i32_0 : i32, i32
  }
  func.func @transform_13(%arg0: i32) -> (i32, i32) {
    %c0_i32 = arith.constant 0 : i32
    %c0_i32_0 = arith.constant 0 : i32
    %c0_i32_1 = arith.constant 0 : i32
    return %c0_i32, %c0_i32_0 : i32, i32
  }
  func.func @transform_14(%arg0: i32) -> (i32, i32) {
    %c0_i32 = arith.constant 0 : i32
    %c0_i32_0 = arith.constant 0 : i32
    %c0_i32_1 = arith.constant 0 : i32
    return %c0_i32, %c0_i32_0 : i32, i32
  }
  func.func @transform_15(%arg0: i32) -> (i32, i32) {
    %c0_i32 = arith.constant 0 : i32
    %c0_i32_0 = arith.constant 0 : i32
    %c0_i32_1 = arith.constant 0 : i32
    return %c0_i32, %c0_i32_0 : i32, i32
  }
  func.func @transform_16(%arg0: i32) -> (i32, i32) {
    %c0_i32 = arith.constant 0 : i32
    %c0_i32_0 = arith.constant 0 : i32
    %c0_i32_1 = arith.constant 0 : i32
    return %c0_i32, %c0_i32_0 : i32, i32
  }
  func.func @transform_17(%arg0: i32) -> (i32, i32) {
    %c0_i32 = arith.constant 0 : i32
    %c0_i32_0 = arith.constant 0 : i32
    %c0_i32_1 = arith.constant 0 : i32
    return %c0_i32, %c0_i32_0 : i32, i32
  }
}

</mosaic_0001>

<sc_bundles>
// kernel: kernel.6.cloned.1.call-start
scs
__scs_entry_jumppad:
0x0: {  	(pc) =	sbr.rel $0x88, $3  }
0x1: {  	(tag) =	ssettag $0x0;
	lr =	simm.s32 $0x1  }
0x2: {  	[smem:$0x3F92] =	sst lr;
	_ =	strace $0xD0000000  }
0x3: {  	_ = 	snop  }
0x4: {  	_ = 	snop  }
0x5: {  	_ = 	snop  }
0x6: {  	_ = 	snop  }
0x7: {  	_ = 	snop  }
__scs_overlays_trampoline_lowered:
0x8: {  	[smem:$0x3FA1] =	sst s0  }
0x9: {  	[smem:$0x3FA2] =	sst s1  }
0xa: {  	[smem:$0x3FA3] =	sst s2  }
0xb: {  	[smem:$0x3FA4] =	sst s3  }
0xc: {  	[smem:$0x3FA5] =	sst s4  }
0xd: {  	[smem:$0x3FA6] =	sst s5  }
0xe: {  	[smem:$0x3FA7] =	sst s6  }
0xf: {  	[smem:$0x3FA8] =	sst s7  }
0x10: {  	[smem:$0x3FA9] =	sst s8  }
0x11: {  	[smem:$0x3FAA] =	sst s9;
	s0 =	simm.s32 @!p0 $0x0  }
0x12: {  	s1 =	sld [smem:$0x3F90];
	s0 =	simm.s32 @p0 $0x1  }
0x13: {  	[smem:$0x3FAB] =	sst s0;
	s0 =	simm.s32 @!p1 $0x0  }
0x14: {  	s2 =	sld [smem:$0x3F8F];
	s0 =	simm.s32 @p1 $0x1  }
0x15: {  	[smem:$0x3FAC] =	sst s0;
	s0 =	simm.s32 @!p2 $0x0  }
0x16: {  	s3 =	sld [smem:$0x3FDB];
	s0 =	simm.s32 @p2 $0x1  }
0x17: {  	s4 =	simm.s32 $0x1BF5;
	[smem:$0x3FAE] =	sst s0  }
0x18: {  	s0 =	sld [smem:$0x3F91];
	_ =	swait.ge [sflag:s4], $0x0  }
0x19: {  	s7 =	sld [smem:$0x3F92]  }
0x1a: {  	s8 =	sadd.s32 $0xFFFFE003, lr  }
0x1b: {  	s9 =	sadd.s32 $0xFFFFFEF7, lr;
	s5 =	simm.s32 $0xFFFFFFFF;
	p2 =	slt.u32 s8, $0xFFFFF086  }
0x1c: {  	p1 =	slt.u32 s9, $0xF7A;
	s5 =	simm.s32 @!p2 $0x0  }
0x1d: {  	s5 =	simm.s32 @p1 $0x1;
	p0 =	seq.s32 s7, s2  }
0x1e: {  	s7 =	smul.u32 @!p0 $0xF7A, s2;
	p2 =	seq.s32 @!p0 s5, $0x0  }
0x1f: {  	s9 =	smul.u32 $0xF7A, s1;
	s8 =	simm.s32 @!p0 $0x1BF5;
	p2 =	por !p2, p0  }
0x20: {  	[sflag:s8] =	ssyncset.s32 @!p0 $0xFFFFF086;
	s6 =	sadd.s32 @!p0 s3, s7;
	s7 =	simm.s32 @!p0 $0x108  }
0x21: {  	s3 =	sadd.s32 s3, s9;
	s6 =	sadd.s32 @!p0 $0x88, s6;
	s7 =	simm.s32 @p2 $0x1082  }
0x22: {  	[simem:s7], [sflag:s8] =	dma.local @!p0 [hbm:s6], $0xF7A  }
0x23: {  	s9 =	sor.u32 $0xD0000000, s2;
	s6 =	simm.s32 $0x108;
	_ =	swait.ge @!p0 [sflag:s8], $0x0  }
0x24: {  	s3 =	sadd.s32 $0x88, s3;
	s6 =	simm.s32 @!p1 $0x1082;
	[sflag:s4] =	ssyncset.s32 $0xFFFFF086  }
0x25: {  	[simem:s6], [sflag:s4] =	dma.local [hbm:s3], $0xF7A  }
0x26: {  	[smem:$0x3F92] =	sst s1;
	(tag) =	ssettag s2;
	_ =	strace s9  }
0x27: {  	s1 =	sld [smem:$0x3FA2]  }
0x28: {  	s2 =	sld [smem:$0x3FA3]  }
0x29: {  	s4 =	sld [smem:$0x3FA5]  }
0x2a: {  	p0 =	seq.s32 s5, $0x0;
	s5 =	sld [smem:$0x3FA6]  }
0x2b: {  	s6 =	sld [smem:$0x3FA7]  }
0x2c: {  	s7 =	sld [smem:$0x3FA8]  }
0x2d: {  	s3 =	simm.s32 $0x108;
	s8 =	sld [smem:$0x3FA9]  }
0x2e: {  	s3 =	simm.s32 @!p0 $0x1082;
	s9 =	sld [smem:$0x3FAA]  }
0x2f: {  	lr =	sadd.s32 s0, s3;
	s0 =	sld [smem:$0x3FA1]  }
0x30: {  	s3 =	sld [smem:$0x3FA4]  }
0x31: {  	[smem:$0x3FAD] =	sst s10  }
0x32: {  	s10 =	sld [smem:$0x3FAB];
	_ =	sdelay $0x3  }
0x33: {  	p0 =	seq.s32 s10, $0x1;
	s10 =	sld [smem:$0x3FAD];
	_ =	sdelay $0x3  }
0x34: {  	[smem:$0x3FAD] =	sst s10  }
0x35: {  	s10 =	sld [smem:$0x3FAC];
	_ =	sdelay $0x3  }
0x36: {  	p1 =	seq.s32 s10, $0x1;
	s10 =	sld [smem:$0x3FAD];
	_ =	sdelay $0x3  }
0x37: {  	[smem:$0x3FAD] =	sst s10  }
0x38: {  	s10 =	sld [smem:$0x3FAE]  }
0x39: {  	_ = 	snop;
	(pc) =	sbr.ind lr, $3  }
0x3a: {  	_ = 	snop  }
0x3b: {  	_ = 	snop  }
0x3c: {  	p2 =	seq.s32 s10, $0x1;
	s10 =	sld [smem:$0x3FAD]  }
0x3d: {  	_ =	shalt  }
0x3e: {  	_ =	shalt  }
0x3f: {  	_ =	shalt  }
0x40: {  	_ =	shalt  }
0x41: {  	_ =	shalt  }
0x42: {  	_ =	shalt  }
0x43: {  	_ =	shalt  }
0x44: {  	_ =	shalt  }
0x45: {  	_ =	shalt  }
0x46: {  	_ =	shalt  }
0x47: {  	_ =	shalt  }
0x48: {  	_ =	shalt  }
0x49: {  	_ =	shalt  }
0x4a: {  	_ =	shalt  }
0x4b: {  	_ =	shalt  }
0x4c: {  	_ =	shalt  }
0x4d: {  	_ =	shalt  }
0x4e: {  	_ =	shalt  }
0x4f: {  	_ =	shalt  }
0x50: {  	_ =	shalt  }
0x51: {  	_ =	shalt  }
0x52: {  	_ =	shalt  }
0x53: {  	_ =	shalt  }
0x54: {  	_ =	shalt  }
0x55: {  	_ =	shalt  }
0x56: {  	_ =	shalt  }
0x57: {  	_ =	shalt  }
0x58: {  	_ =	shalt  }
0x59: {  	_ =	shalt  }
0x5a: {  	_ =	shalt  }
0x5b: {  	_ =	shalt  }
0x5c: {  	_ =	shalt  }
0x5d: {  	_ =	shalt  }
0x5e: {  	_ =	shalt  }
0x5f: {  	_ =	shalt  }
0x60: {  	_ =	shalt  }
0x61: {  	_ =	shalt  }
0x62: {  	_ =	shalt  }
0x63: {  	_ =	shalt  }
0x64: {  	_ =	shalt  }
0x65: {  	_ =	shalt  }
0x66: {  	_ =	shalt  }
0x67: {  	_ =	shalt  }
0x68: {  	_ =	shalt  }
0x69: {  	_ =	shalt  }
0x6a: {  	_ =	shalt  }
0x6b: {  	_ =	shalt  }
0x6c: {  	_ =	shalt  }
0x6d: {  	_ =	shalt  }
0x6e: {  	_ =	shalt  }
0x6f: {  	_ =	shalt  }
0x70: {  	_ =	shalt  }
0x71: {  	_ =	shalt  }
0x72: {  	_ =	shalt  }
0x73: {  	_ =	shalt  }
0x74: {  	_ =	shalt  }
0x75: {  	_ =	shalt  }
0x76: {  	_ =	shalt  }
0x77: {  	_ =	shalt  }
0x78: {  	_ =	shalt  }
0x79: {  	_ =	shalt  }
0x7a: {  	_ =	shalt  }
0x7b: {  	_ =	shalt  }
0x7c: {  	_ =	shalt  }
0x7d: {  	_ =	shalt  }
0x7e: {  	_ =	shalt  }
0x7f: {  	_ =	shalt  }
0x80: {  	_ =	shalt  }
0x81: {  	_ =	shalt  }
0x82: {  	_ =	shalt  }
0x83: {  	_ =	shalt  }
0x84: {  	_ =	shalt  }
0x85: {  	_ =	shalt  }
0x86: {  	_ =	shalt  }
0x87: {  	_ =	shalt  }
.Lfunc_end0:
.L_simem_size_0:
called_computation_lowered:
.L_overlay_start_0:
0x88: {  	s2 =	sld [smem:$0x3FD9]  }
0x89: {  	s3 =	sld [smem:$0x3FFE];
	_ =	sdelay $0x1  }
0x8a: {  	s1 =	srdreg.scid  }
0x8b: {  	s0 =	sand.u32 $0x1, s1  }
0x8c: {  	s17 =	sshll.u32 s0, $0xA;
	s2 =	sadd.s32 s3, s2  }
0x8d: {  	s2 =	sadd.s32 s2, s17  }
0x8e: {  	[smem:$0x3FB9] =	sst s2  }
0x8f: {  	_ = 	snop  }
0x90: {  	s18 =	sld [smem:$0x3FC4]  }
0x91: {  	s4 =	sld [smem:$0x3FC3];
	(tm) =	ssettm $0x1  }
0x92: {  	s19 =	sld [smem:$0x3FFB];
	_ =	sdelay $0x3  }
0x93: {  	_ =	strace s19  }
0x94: {  	s2 =	sld [smem:$0x3FFC];
	_ =	sdelay $0x3  }
0x95: {  	_ =	strace s2  }
0x96: {  	s2 =	sld [smem:$0x3FFD];
	_ =	sdelay $0x3  }
0x97: {  	_ =	strace s2  }
0x98: {  	_ =	strace $0x8FFFFFFF  }
0x99: {  	s20 =	sld [smem:$0x3FDB];
	_ =	sdelay $0x1  }
0x9a: {  	s5 =	simm.s32 $_scs_section_size  }
0x9b: {  	s6 =	simm.s32 $_size__tile_overlayer_lowered;
	s7 =	simm.s32 $_tile_overlayer_lowered  }
0x9c: {  	s8 =	simm.s32 $0x1BFF;
	s21 =	sshll.u32 s7, $0x1;
	s5 =	sadd.s32 s5, s20  }
0x9d: {  	s22 =	simm.s32 $0x0;
	s6 =	sshll.u32 s6, $0x1;
	s7 =	sadd.s32 s21, s5  }
0x9e: {  	[timem:s22], [sflag:s8] =	dma.local [hbm:s7], s6  }
0x9f: {  	_ =	swait.ge [sflag:s8], s6  }
0xa0: {  	s6 =	ssub.s32 $0x0, s6;
	[sflag:s8] =	ssyncset.done $0x0  }
0xa1: {  	[sflag:s8] =	ssyncadd.s32 s6;
	_ =	sdelay $0x1  }
0xa2: {  	s23 =	simm.s32 $0x1B8B  }
0xa3: {  	_ =	swait.ge [sflag:s23], $0x1  }
0xa4: {  	[sflag:s23] =	ssyncset.done $0x0  }
0xa5: {  	[sflag:s23] =	ssyncadd.s32 $0xFFFFFFFF  }
0xa6: {  	s6 =	sld [smem:$0x0]  }
0xa7: {  	s7 =	sand.u32 $0xFFFFFFFE, s1  }
0xa8: {  	p0 =	sne.s32 s1, s7  }
0xa9: {  	s7 =	sshll.u32 @p0 s7, $0xE  }
0xaa: {  	s7 =	sadd.s32 @p0 $0x11B8D, s7;
	s8 =	sshll.u32 @p0 s6, $0x11  }
0xab: {  	s7 =	sor.u32 @p0 s8, s7  }
0xac: {  	[sflag:s7] =	ssyncadd.remote.s32 @p0 $0x1;
	_ =	sdelay $0x1  }
0xad: {  	s7 =	simm.s32 @p0 $0x1B8D  }
0xae: {  	_ =	swait.eq @p0 [sflag:s7], $0x1  }
0xaf: {  	[sflag:s7] =	ssyncadd.s32 @p0 $0xFFFFFFFF  }
0xb0: {  	s8 =	sshll.u32 @!p0 s1, $0xE  }
0xb1: {  	s8 =	sor.u32 @!p0 $0x4000, s8;
	s7 =	simm.s32 @!p0 $0x1B8D  }
0xb2: {  	s6 =	sshll.u32 @!p0 s6, $0x11;
	s8 =	sadd.s32 @!p0 $0x11B8D, s8;
	_ =	swait.eq @!p0 [sflag:s7], $0x1  }
0xb3: {  	s6 =	sor.u32 @!p0 s6, s8;
	[sflag:s7] =	ssyncadd.s32 @!p0 $0xFFFFFFFF  }
0xb4: {  	s25 =	simm.s32 $0x1B8E;
	s24 =	sld [smem:$0x3FFE];
	[sflag:s6] =	ssyncadd.remote.s32 @!p0 $0x1  }
0xb5: {  	s26 =	simm.s32 $execute0_lowered;
	[smem:$0x3FD2] =	sst s25  }
0xb6: {  	s7 =	sshll.u32 s26, $0x1;
	_ =	strace $0x80000049;
	[dreg:$0x1] =	wrdreg $0xFFFFFFFF  }
0xb7: {  	s28 =	simm.s32 $_size_execute0_lowered;
	s5 =	sadd.s32 s5, s7;
	[dreg:$0x0] =	wrdreg $0x0  }
0xb8: {  	s7 =	sshll.u32 s28, $0x1;
	[dreg:$0x2] =	wrdreg s5  }
0xb9: {  	[dreg:$0x3] =	wrdreg s7  }
0xba: {  	[dreg:$0x4] =	wrdreg $0xC0  }
0xbb: {  	_ =	task [dreg:s22], $0x5FFFF  }
0xbc: {  	[dreg:$0x1] =	wrdreg $0xFFFFFFFF  }
0xbd: {  	[dreg:$0x0] =	wrdreg $0x60  }
0xbe: {  	[dreg:$0x2] =	wrdreg s24  }
0xbf: {  	[dreg:$0x3] =	wrdreg s18  }
0xc0: {  	[dreg:$0x4] =	wrdreg s4  }
0xc1: {  	[dreg:$0x5] =	wrdreg $0x9  }
0xc2: {  	_ =	task.clear_ibuf [dreg:s22], $0x6FFFF;
	_ =	strace $0x90000049  }
0xc3: {  	s29 =	simm.s32 $0x9;
	_ =	strace $0x8000004B  }
0xc4: {  	_ =	swait.ge [sflag:s29], $0x1  }
0xc5: {  	[sflag:s29] =	ssyncadd.s32 $0xFFFFFFFF  }
0xc6: {  	_ =	strace $0x9000004B  }
0xc7: {  	_ =	sfence  }
0xc8: {  	s30 =	sld [smem:$0x0];
	_ =	sdelay $0x2  }
0xc9: {  	s31 =	sshll.u32 s1, $0xD;
	s1 =	sshrl.u32 s1, $0x2  }
0xca: {  	s4 =	sand.u32 $0x4000, s31;
	s1 =	sadd.s32 s1, s30  }
0xcb: {  	s0 =	sor.u32 s4, s0;
	s1 =	sshll.u32 s1, $0x11  }
0xcc: {  	s0 =	sor.u32 s1, s0  }
0xcd: {  	s0 =	sadd.s32 $0x8F2B, s0  }
0xce: {  	[sflag:s0] =	ssyncadd.remote.s32 $0x1  }
0xcf: {  	_ =	sfence.sel $0xFFFF  }
0xd0: {  	[dreg:$0x0] =	wrdreg $0xFFFFFFFF;
	(pc) =	sbr.abs _section_cstart, $3  }
0xd1: {  	[dreg:$0x1] =	wrdreg $0xFFFFFFFF  }
0xd2: {  	_ =	task.clear_ibuf [dreg:s22], $0x2FFFF;
	_ =	strace $0x9FFFFFFF  }
0xd3: {  	(tm) =	ssettm $0x7FFFFFFF  }
tec
execute0_lowered:
.L_overlay_start_1:
0x0: {  	(tag) =	ssettag $0x1  }
0x1: {  	s25 =	rddreg [dreg:$0x0]  }
0x2: {  	s2 =	rddreg [dreg:$0x1];
	s1 =	srdreg.scid  }
0x3: {  	s0 =	stileid.u32;
	s3 =	rddreg [dreg:$0x2]  }
0x4: {  	s4 =	simm.s32 $0x0;
	s1 =	sand.u32 $0x1, s1;
	s5 =	sshll.u32 s0, $0x1  }
0x5: {  	[smem:$0x7FF] =	sst s4;
	s5 =	sor.u32 s1, s5  }
0x6: {  	s7 =	sadd.s32 $0x266C00, s25;
	s6 =	sshll.u32 s5, $0x8;
	s26 =	sshll.u32 s5, $0xD  }
0x7: {  	_ =	strace $0x8000004A;
	s6 =	sadd.s32 s6, s25;
	s5 =	sadd.s32 s7, s26  }
0x8: {  	s28 =	sor.u32 $0x800, s26;
	s6 =	sadd.s32 $0x264C00, s6;
	[dreg:$0x5] =	wrdreg s5  }
0x9: {  	s30 =	sor.u32 $0x1000, s26;
	s22 =	sadd.s32 s7, s28;
	[dreg:$0x4] =	wrdreg s6  }
0xa: {  	s31 =	sor.u32 $0x1800, s26;
	s23 =	sadd.s32 s7, s30;
	[dreg:$0x6] =	wrdreg s22  }
0xb: {  	s24 =	sadd.s32 s7, s31;
	[dreg:$0x7] =	wrdreg s23  }
0xc: {  	[dreg:$0x8] =	wrdreg s24  }
0xd: {  	s5 =	simm.s32 $0x3;
	s6 =	rddreg [dreg:$0x4]  }
0xe: {  	[tilespmem:s4], [sflag:$0x3] =	stream.linear.gather [hbm4b:s6+s4], $0x600, $0x38;
	[tilespmem:$0x10800] =	vst v63  }
0xf: {  	_ =	swait.ge [sflag:s5], $0x600  }
0x10: {  	[sflag:s5] =	ssyncset.done $0x0  }
0x11: {  	s7 =	simm.s32 $0x800;
	s6 =	simm.s32 $0x80;
	[sflag:s5] =	ssyncadd.s32 $0xFFFFFA00  }
0x12: {  	[tilespmem:s7], [sflag:$0x1] =	stream.indirect.gather [hbm4b:s2+s6], $0x80, s4, s6, $0xb8;
	[tilespmem:$0x10800] =	vst v63  }
0x13: {  	s8 =	simm.s32 $0x4800;
	s9 =	simm.s32 $0x1  }
0x14: {  	[tilespmem:s8], [sflag:$0x1] =	stream.indirect.gather [hbm4b:s2+s6], $0x80, s6, s6, $0xb8;
	[tilespmem:$0x10800] =	vst v63  }
0x15: {  	_ =	swait.ge [sflag:s9], $0x4000  }
0x16: {  	[sflag:s9] =	ssyncset.done $0x0  }
0x17: {  	s10 =	rddreg [dreg:$0x5];
	[sflag:s9] =	ssyncadd.s32 $0xFFFFC000  }
0x18: {  	[hbm4b:s10+s4] =	stream.linear.scatter [tilespmem:s7], [sflag:$0x2], $0x4000, $0x38;
	[tilespmem:$0x10800] =	vst v63  }
0x19: {  	s11 =	simm.s32 $0x8800;
	s10 =	simm.s32 $0x100  }
0x1a: {  	[tilespmem:s11], [sflag:$0x1] =	stream.indirect.gather [hbm4b:s2+s6], $0x80, s10, s6, $0xb8;
	[tilespmem:$0x10800] =	vst v63  }
0x1b: {  	_ =	swait.ge [sflag:s9], $0x4000  }
0x1c: {  	[sflag:s9] =	ssyncset.done $0x0  }
0x1d: {  	s12 =	rddreg [dreg:$0x6];
	[sflag:s9] =	ssyncadd.s32 $0xFFFFC000  }
0x1e: {  	[hbm4b:s12+s4] =	stream.linear.scatter [tilespmem:s8], [sflag:$0x2], $0x4000, $0x38;
	[tilespmem:$0x10800] =	vst v63  }
0x1f: {  	s13 =	simm.s32 $0xC800;
	s12 =	simm.s32 $0x180  }
0x20: {  	[tilespmem:s13], [sflag:$0x1] =	stream.indirect.gather [hbm4b:s2+s6], $0x80, s12, s6, $0xb8;
	[tilespmem:$0x10800] =	vst v63  }
0x21: {  	_ =	swait.ge [sflag:s9], $0x4000  }
0x22: {  	[sflag:s9] =	ssyncset.done $0x0  }
0x23: {  	s14 =	simm.s32 $0x2;
	s15 =	rddreg [dreg:$0x7];
	[sflag:s9] =	ssyncadd.s32 $0xFFFFC000  }
0x24: {  	[hbm4b:s15+s4] =	stream.linear.scatter [tilespmem:s11], [sflag:$0x2], $0x4000, $0x38;
	[tilespmem:$0x10800] =	vst v63  }
0x25: {  	_ =	swait.ge [sflag:s14], $0x4000  }
0x26: {  	[sflag:s14] =	ssyncset.done $0x0  }
0x27: {  	s15 =	simm.s32 $0x200;
	[sflag:s14] =	ssyncadd.s32 $0xFFFFC000  }
0x28: {  	[tilespmem:s7], [sflag:$0x1] =	stream.indirect.gather [hbm4b:s3+s6], $0x80, s15, s6, $0xb8;
	[tilespmem:$0x10800] =	vst v63  }
0x29: {  	_ =	swait.ge [sflag:s9], $0x4000  }
0x2a: {  	[sflag:s9] =	ssyncset.done $0x0  }
0x2b: {  	s16 =	rddreg [dreg:$0x8];
	[sflag:s9] =	ssyncadd.s32 $0xFFFFC000  }
0x2c: {  	[hbm4b:s16+s4] =	stream.linear.scatter [tilespmem:s13], [sflag:$0x2], $0x4000, $0x38;
	[tilespmem:$0x10800] =	vst v63  }
0x2d: {  	_ =	swait.ge [sflag:s14], $0x4000  }
0x2e: {  	[sflag:s14] =	ssyncset.done $0x0  }
0x2f: {  	s16 =	simm.s32 $0x280;
	[sflag:s14] =	ssyncadd.s32 $0xFFFFC000  }
0x30: {  	[tilespmem:s8], [sflag:$0x1] =	stream.indirect.gather [hbm4b:s3+s6], $0x80, s16, s6, $0xb8;
	[tilespmem:$0x10800] =	vst v63  }
0x31: {  	_ =	swait.ge [sflag:s9], $0x4000  }
0x32: {  	s23 =	sadd.s32 $0x2A6C00, s25;
	[sflag:s9] =	ssyncset.done $0x0  }
0x33: {  	s17 =	sadd.s32 s23, s26;
	[sflag:s9] =	ssyncadd.s32 $0xFFFFC000  }
0x34: {  	[hbm4b:s17+s4] =	stream.linear.scatter [tilespmem:s7], [sflag:$0x2], $0x4000, $0x38;
	[tilespmem:$0x10800] =	vst v63  }
0x35: {  	_ =	swait.ge [sflag:s14], $0x4000  }
0x36: {  	[sflag:s14] =	ssyncset.done $0x0  }
0x37: {  	s18 =	simm.s32 $0x300;
	[sflag:s14] =	ssyncadd.s32 $0xFFFFC000  }
0x38: {  	[tilespmem:s11], [sflag:$0x1] =	stream.indirect.gather [hbm4b:s3+s6], $0x80, s18, s6, $0xb8;
	[tilespmem:$0x10800] =	vst v63  }
0x39: {  	_ =	swait.ge [sflag:s9], $0x4000  }
0x3a: {  	[sflag:s9] =	ssyncset.done $0x0  }
0x3b: {  	s19 =	sadd.s32 s23, s28;
	[sflag:s9] =	ssyncadd.s32 $0xFFFFC000  }
0x3c: {  	[hbm4b:s19+s4] =	stream.linear.scatter [tilespmem:s8], [sflag:$0x2], $0x4000, $0x38;
	[tilespmem:$0x10800] =	vst v63  }
0x3d: {  	_ =	swait.ge [sflag:s14], $0x4000  }
0x3e: {  	[sflag:s14] =	ssyncset.done $0x0  }
0x3f: {  	s20 =	simm.s32 $0x380;
	[sflag:s14] =	ssyncadd.s32 $0xFFFFC000  }
0x40: {  	[tilespmem:s13], [sflag:$0x1] =	stream.indirect.gather [hbm4b:s3+s6], $0x80, s20, s6, $0xb8;
	[tilespmem:$0x10800] =	vst v63  }
0x41: {  	_ =	swait.ge [sflag:s9], $0x4000  }
0x42: {  	[sflag:s9] =	ssyncset.done $0x0  }
0x43: {  	s21 =	sadd.s32 s23, s30;
	[sflag:s9] =	ssyncadd.s32 $0xFFFFC000  }
0x44: {  	[hbm4b:s21+s4] =	stream.linear.scatter [tilespmem:s11], [sflag:$0x2], $0x4000, $0x38;
	[tilespmem:$0x10800] =	vst v63  }
0x45: {  	_ =	swait.ge [sflag:s14], $0x4000  }
0x46: {  	[sflag:s14] =	ssyncset.done $0x0  }
0x47: {  	s22 =	simm.s32 $0x400;
	[sflag:s14] =	ssyncadd.s32 $0xFFFFC000  }
0x48: {  	[tilespmem:s7], [sflag:$0x1] =	stream.indirect.gather [hbm4b:s3+s6], $0x80, s22, s6, $0xb8;
	[tilespmem:$0x10800] =	vst v63  }
0x49: {  	_ =	swait.ge [sflag:s9], $0x4000  }
0x4a: {  	[sflag:s9] =	ssyncset.done $0x0  }
0x4b: {  	s23 =	sadd.s32 s23, s31;
	[sflag:s9] =	ssyncadd.s32 $0xFFFFC000  }
0x4c: {  	[hbm4b:s23+s4] =	stream.linear.scatter [tilespmem:s13], [sflag:$0x2], $0x4000, $0x38;
	[tilespmem:$0x10800] =	vst v63  }
0x4d: {  	_ =	swait.ge [sflag:s14], $0x4000  }
0x4e: {  	[sflag:s14] =	ssyncset.done $0x0  }
0x4f: {  	s24 =	simm.s32 $0x480;
	[sflag:s14] =	ssyncadd.s32 $0xFFFFC000  }
0x50: {  	[tilespmem:s8], [sflag:$0x1] =	stream.indirect.gather [hbm4b:s3+s6], $0x80, s24, s6, $0xb8;
	[tilespmem:$0x10800] =	vst v63  }
0x51: {  	_ =	swait.ge [sflag:s9], $0x4000  }
0x52: {  	s0 =	sadd.s32 $0x2E6C00, s25;
	[sflag:s9] =	ssyncset.done $0x0  }
0x53: {  	s25 =	sadd.s32 s0, s26;
	[sflag:s9] =	ssyncadd.s32 $0xFFFFC000  }
0x54: {  	[hbm4b:s25+s4] =	stream.linear.scatter [tilespmem:s7], [sflag:$0x2], $0x4000, $0x38;
	[tilespmem:$0x10800] =	vst v63  }
0x55: {  	_ =	swait.ge [sflag:s14], $0x4000  }
0x56: {  	[sflag:s14] =	ssyncset.done $0x0  }
0x57: {  	s26 =	simm.s32 $0x500;
	[sflag:s14] =	ssyncadd.s32 $0xFFFFC000  }
0x58: {  	[tilespmem:s11], [sflag:$0x1] =	stream.indirect.gather [hbm4b:s3+s6], $0x80, s26, s6, $0xb8;
	[tilespmem:$0x10800] =	vst v63  }
0x59: {  	_ =	swait.ge [sflag:s9], $0x4000  }
0x5a: {  	[sflag:s9] =	ssyncset.done $0x0  }
0x5b: {  	s28 =	sadd.s32 s0, s28;
	[sflag:s9] =	ssyncadd.s32 $0xFFFFC000  }
0x5c: {  	[hbm4b:s28+s4] =	stream.linear.scatter [tilespmem:s8], [sflag:$0x2], $0x4000, $0x38;
	[tilespmem:$0x10800] =	vst v63  }
0x5d: {  	_ =	swait.ge [sflag:s14], $0x4000  }
0x5e: {  	[sflag:s14] =	ssyncset.done $0x0  }
0x5f: {  	s29 =	simm.s32 $0x580;
	[sflag:s14] =	ssyncadd.s32 $0xFFFFC000  }
0x60: {  	[tilespmem:s13], [sflag:$0x1] =	stream.indirect.gather [hbm4b:s3+s6], $0x80, s29, s6, $0xb8;
	[tilespmem:$0x10800] =	vst v63  }
0x61: {  	_ =	swait.ge [sflag:s9], $0x4000  }
0x62: {  	[sflag:s9] =	ssyncset.done $0x0  }
0x63: {  	s30 =	sadd.s32 s0, s30;
	[sflag:s9] =	ssyncadd.s32 $0xFFFFC000  }
0x64: {  	[hbm4b:s30+s4] =	stream.linear.scatter [tilespmem:s11], [sflag:$0x2], $0x4000, $0x38;
	[tilespmem:$0x10800] =	vst v63  }
0x65: {  	_ =	swait.ge [sflag:s9], $0x4000  }
0x66: {  	[sflag:s9] =	ssyncset.done $0x0  }
0x67: {  	s31 =	sadd.s32 s0, s31;
	[sflag:s9] =	ssyncadd.s32 $0xFFFFC000  }
0x68: {  	[hbm4b:s31+s4] =	stream.linear.scatter [tilespmem:s13], [sflag:$0x2], $0x4000, $0x38;
	[tilespmem:$0x10800] =	vst v63  }
0x69: {  	s0 =	ssub.s32 $0x2, s1;
	_ =	swait.ge [sflag:s14], $0x4000  }
0x6a: {  	s1 =	sshrl.u32 s0, $0x1;
	[sflag:s14] =	ssyncset.done $0x0  }
0x6b: {  	s0 =	ssub.s32 s0, s1;
	[sflag:s14] =	ssyncadd.s32 $0xFFFFC000  }
0x6c: {  	s0 =	smax.u32 s0, $0x1;
	_ =	swait.ge [sflag:s14], $0x4000  }
0x6d: {  	p0 =	sne.s32 s0, $0x1;
	[sflag:s14] =	ssyncset.done $0x0  }
.Ltmp0:
0x6e: {  	[sflag:s14] =	ssyncadd.s32 $0xFFFFC000;
	(pc) =	sbr.rel @!p0 .LBB2_2-.Ltmp0, $4  }
0x6f: {  	_ =	swait.ge [sflag:s14], $0x4000  }
0x70: {  	[sflag:s14] =	ssyncset.done $0x0  }
0x71: {  	[sflag:s14] =	ssyncadd.s32 $0xFFFFC000  }
0x72: {  	s1 =	sadd.s32 $0xFFFFFFFF, s0;
	_ =	swait.ge [sflag:s14], $0x4000  }
.LBB2_1:
0x73: {  	[sflag:s14] =	ssyncset.done $0x0  }
0x74: {  	s0 =	rddreg [dreg:$0x4];
	[sflag:s14] =	ssyncadd.s32 $0xFFFFC000  }
0x75: {  	[tilespmem:s4], [sflag:$0x3] =	stream.linear.gather [hbm4b:s0+s4], $0x600, $0x38;
	[tilespmem:$0x10800] =	vst v63  }
0x76: {  	_ =	swait.ge [sflag:s5], $0x600  }
0x77: {  	[sflag:s5] =	ssyncset.done $0x0  }
0x78: {  	[sflag:s5] =	ssyncadd.s32 $0xFFFFFA00  }
0x79: {  	[tilespmem:s7], [sflag:$0x1] =	stream.indirect.gather [hbm4b:s2+s6], $0x80, s4, s6, $0xb8;
	[tilespmem:$0x10800] =	vst v63  }
0x7a: {  	_ = 	snop  }
0x7b: {  	[tilespmem:s8], [sflag:$0x1] =	stream.indirect.gather [hbm4b:s2+s6], $0x80, s6, s6, $0xb8;
	[tilespmem:$0x10800] =	vst v63  }
0x7c: {  	_ =	swait.ge [sflag:s9], $0x4000  }
0x7d: {  	[sflag:s9] =	ssyncset.done $0x0  }
0x7e: {  	s0 =	rddreg [dreg:$0x5];
	[sflag:s9] =	ssyncadd.s32 $0xFFFFC000  }
0x7f: {  	[hbm4b:s0+s4] =	stream.linear.scatter [tilespmem:s7], [sflag:$0x2], $0x4000, $0x38;
	[tilespmem:$0x10800] =	vst v63  }
0x80: {  	_ = 	snop  }
0x81: {  	[tilespmem:s11], [sflag:$0x1] =	stream.indirect.gather [hbm4b:s2+s6], $0x80, s10, s6, $0xb8;
	[tilespmem:$0x10800] =	vst v63  }
0x82: {  	_ =	swait.ge [sflag:s9], $0x4000  }
0x83: {  	[sflag:s9] =	ssyncset.done $0x0  }
0x84: {  	s0 =	rddreg [dreg:$0x6];
	[sflag:s9] =	ssyncadd.s32 $0xFFFFC000  }
0x85: {  	[hbm4b:s0+s4] =	stream.linear.scatter [tilespmem:s8], [sflag:$0x2], $0x4000, $0x38;
	[tilespmem:$0x10800] =	vst v63  }
0x86: {  	_ = 	snop  }
0x87: {  	[tilespmem:s13], [sflag:$0x1] =	stream.indirect.gather [hbm4b:s2+s6], $0x80, s12, s6, $0xb8;
	[tilespmem:$0x10800] =	vst v63  }
0x88: {  	_ =	swait.ge [sflag:s9], $0x4000  }
0x89: {  	[sflag:s9] =	ssyncset.done $0x0  }
0x8a: {  	s0 =	rddreg [dreg:$0x7];
	[sflag:s9] =	ssyncadd.s32 $0xFFFFC000  }
0x8b: {  	[hbm4b:s0+s4] =	stream.linear.scatter [tilespmem:s11], [sflag:$0x2], $0x4000, $0x38;
	[tilespmem:$0x10800] =	vst v63  }
0x8c: {  	_ =	swait.ge [sflag:s14], $0x4000  }
0x8d: {  	[sflag:s14] =	ssyncset.done $0x0  }
0x8e: {  	[sflag:s14] =	ssyncadd.s32 $0xFFFFC000  }
0x8f: {  	[tilespmem:s7], [sflag:$0x1] =	stream.indirect.gather [hbm4b:s3+s6], $0x80, s15, s6, $0xb8;
	[tilespmem:$0x10800] =	vst v63  }
0x90: {  	_ =	swait.ge [sflag:s9], $0x4000  }
0x91: {  	[sflag:s9] =	ssyncset.done $0x0  }
0x92: {  	s0 =	rddreg [dreg:$0x8];
	[sflag:s9] =	ssyncadd.s32 $0xFFFFC000  }
0x93: {  	[hbm4b:s0+s4] =	stream.linear.scatter [tilespmem:s13], [sflag:$0x2], $0x4000, $0x38;
	[tilespmem:$0x10800] =	vst v63  }
0x94: {  	_ =	swait.ge [sflag:s14], $0x4000  }
0x95: {  	[sflag:s14] =	ssyncset.done $0x0  }
0x96: {  	[sflag:s14] =	ssyncadd.s32 $0xFFFFC000  }
0x97: {  	[tilespmem:s8], [sflag:$0x1] =	stream.indirect.gather [hbm4b:s3+s6], $0x80, s16, s6, $0xb8;
	[tilespmem:$0x10800] =	vst v63  }
0x98: {  	_ =	swait.ge [sflag:s9], $0x4000  }
0x99: {  	[sflag:s9] =	ssyncset.done $0x0  }
0x9a: {  	[sflag:s9] =	ssyncadd.s32 $0xFFFFC000  }
0x9b: {  	[hbm4b:s17+s4] =	stream.linear.scatter [tilespmem:s7], [sflag:$0x2], $0x4000, $0x38;
	[tilespmem:$0x10800] =	vst v63  }
0x9c: {  	_ =	swait.ge [sflag:s14], $0x4000  }
0x9d: {  	[sflag:s14] =	ssyncset.done $0x0  }
0x9e: {  	[sflag:s14] =	ssyncadd.s32 $0xFFFFC000  }
0x9f: {  	[tilespmem:s11], [sflag:$0x1] =	stream.indirect.gather [hbm4b:s3+s6], $0x80, s18, s6, $0xb8;
	[tilespmem:$0x10800] =	vst v63  }
0xa0: {  	_ =	swait.ge [sflag:s9], $0x4000  }
0xa1: {  	[sflag:s9] =	ssyncset.done $0x0  }
0xa2: {  	[sflag:s9] =	ssyncadd.s32 $0xFFFFC000  }
0xa3: {  	[hbm4b:s19+s4] =	stream.linear.scatter [tilespmem:s8], [sflag:$0x2], $0x4000, $0x38;
	[tilespmem:$0x10800] =	vst v63  }
0xa4: {  	_ =	swait.ge [sflag:s14], $0x4000  }
0xa5: {  	[sflag:s14] =	ssyncset.done $0x0  }
0xa6: {  	[sflag:s14] =	ssyncadd.s32 $0xFFFFC000  }
0xa7: {  	[tilespmem:s13], [sflag:$0x1] =	stream.indirect.gather [hbm4b:s3+s6], $0x80, s20, s6, $0xb8;
	[tilespmem:$0x10800] =	vst v63  }
0xa8: {  	_ =	swait.ge [sflag:s9], $0x4000  }
0xa9: {  	[sflag:s9] =	ssyncset.done $0x0  }
0xaa: {  	[sflag:s9] =	ssyncadd.s32 $0xFFFFC000  }
0xab: {  	[hbm4b:s21+s4] =	stream.linear.scatter [tilespmem:s11], [sflag:$0x2], $0x4000, $0x38;
	[tilespmem:$0x10800] =	vst v63  }
0xac: {  	_ =	swait.ge [sflag:s14], $0x4000  }
0xad: {  	[sflag:s14] =	ssyncset.done $0x0  }
0xae: {  	[sflag:s14] =	ssyncadd.s32 $0xFFFFC000  }
0xaf: {  	[tilespmem:s7], [sflag:$0x1] =	stream.indirect.gather [hbm4b:s3+s6], $0x80, s22, s6, $0xb8;
	[tilespmem:$0x10800] =	vst v63  }
0xb0: {  	_ =	swait.ge [sflag:s9], $0x4000  }
0xb1: {  	[sflag:s9] =	ssyncset.done $0x0  }
0xb2: {  	[sflag:s9] =	ssyncadd.s32 $0xFFFFC000  }
0xb3: {  	[hbm4b:s23+s4] =	stream.linear.scatter [tilespmem:s13], [sflag:$0x2], $0x4000, $0x38;
	[tilespmem:$0x10800] =	vst v63  }
0xb4: {  	_ =	swait.ge [sflag:s14], $0x4000  }
0xb5: {  	[sflag:s14] =	ssyncset.done $0x0  }
0xb6: {  	[sflag:s14] =	ssyncadd.s32 $0xFFFFC000  }
0xb7: {  	[tilespmem:s8], [sflag:$0x1] =	stream.indirect.gather [hbm4b:s3+s6], $0x80, s24, s6, $0xb8;
	[tilespmem:$0x10800] =	vst v63  }
0xb8: {  	_ =	swait.ge [sflag:s9], $0x4000  }
0xb9: {  	[sflag:s9] =	ssyncset.done $0x0  }
0xba: {  	[sflag:s9] =	ssyncadd.s32 $0xFFFFC000  }
0xbb: {  	[hbm4b:s25+s4] =	stream.linear.scatter [tilespmem:s7], [sflag:$0x2], $0x4000, $0x38;
	[tilespmem:$0x10800] =	vst v63  }
0xbc: {  	_ =	swait.ge [sflag:s14], $0x4000  }
0xbd: {  	[sflag:s14] =	ssyncset.done $0x0  }
0xbe: {  	[sflag:s14] =	ssyncadd.s32 $0xFFFFC000  }
0xbf: {  	[tilespmem:s11], [sflag:$0x1] =	stream.indirect.gather [hbm4b:s3+s6], $0x80, s26, s6, $0xb8;
	[tilespmem:$0x10800] =	vst v63  }
0xc0: {  	_ =	swait.ge [sflag:s9], $0x4000  }
0xc1: {  	[sflag:s9] =	ssyncset.done $0x0  }
0xc2: {  	[sflag:s9] =	ssyncadd.s32 $0xFFFFC000  }
0xc3: {  	[hbm4b:s28+s4] =	stream.linear.scatter [tilespmem:s8], [sflag:$0x2], $0x4000, $0x38;
	[tilespmem:$0x10800] =	vst v63  }
0xc4: {  	_ =	swait.ge [sflag:s14], $0x4000  }
0xc5: {  	[sflag:s14] =	ssyncset.done $0x0  }
0xc6: {  	[sflag:s14] =	ssyncadd.s32 $0xFFFFC000  }
0xc7: {  	[tilespmem:s13], [sflag:$0x1] =	stream.indirect.gather [hbm4b:s3+s6], $0x80, s29, s6, $0xb8;
	[tilespmem:$0x10800] =	vst v63  }
0xc8: {  	_ =	swait.ge [sflag:s9], $0x4000  }
0xc9: {  	[sflag:s9] =	ssyncset.done $0x0  }
0xca: {  	[sflag:s9] =	ssyncadd.s32 $0xFFFFC000  }
0xcb: {  	[hbm4b:s30+s4] =	stream.linear.scatter [tilespmem:s11], [sflag:$0x2], $0x4000, $0x38;
	[tilespmem:$0x10800] =	vst v63  }
0xcc: {  	_ =	swait.ge [sflag:s9], $0x4000  }
0xcd: {  	[sflag:s9] =	ssyncset.done $0x0  }
0xce: {  	[sflag:s9] =	ssyncadd.s32 $0xFFFFC000  }
0xcf: {  	[hbm4b:s31+s4] =	stream.linear.scatter [tilespmem:s13], [sflag:$0x2], $0x4000, $0x38;
	[tilespmem:$0x10800] =	vst v63  }
0xd0: {  	_ =	swait.ge [sflag:s14], $0x4000  }
0xd1: {  	[sflag:s14] =	ssyncset.done $0x0  }
0xd2: {  	[sflag:s14] =	ssyncadd.s32 $0xFFFFC000  }
0xd3: {  	_ =	swait.ge [sflag:s14], $0x4000  }
0xd4: {  	p0 =	sne.s32 s1, $0x1;
	[sflag:s14] =	ssyncset.done $0x0  }
.Ltmp1:
0xd5: {  	[sflag:s14] =	ssyncadd.s32 $0xFFFFC000;
	(pc) =	sbr.rel @p0 .LBB2_1-.Ltmp1, $4  }
0xd6: {  	_ =	swait.ge [sflag:s14], $0x4000  }
0xd7: {  	[sflag:s14] =	ssyncset.done $0x0  }
0xd8: {  	[sflag:s14] =	ssyncadd.s32 $0xFFFFC000  }
0xd9: {  	s1 =	sadd.s32 $0xFFFFFFFF, s1;
	_ =	swait.ge [sflag:s14], $0x4000  }
.LBB2_2:
0xda: {  	[sflag:s14] =	ssyncset.done $0x0  }
0xdb: {  	[sflag:s14] =	ssyncadd.s32 $0xFFFFC000  }
0xdc: {  	_ =	sfence.sel $0x180000  }
0xdd: {  	[bflag:$0x0] =	sbarrier.arrive $0xFFFF  }
0xde: {  	_ =	strace $0x9000004A  }
0xdf: {  	s0 =	stileid.u32;
	[bflag:$0x2] =	sbarrier.arrive $0xFFFF  }
0xe0: {  	p0 =	sne.s32 s0, $0x0;
	s0 =	rddreg [dreg:$0x3]  }
0xe1: {  	s0 =	sadd.s32 @!p0 $0x100000, s0  }
0xe2: {  	[sflag:s0] =	ssyncadd.tile.s32 @!p0 $0x1;
	_ =	shalt  }
.Lfunc_end2:
_tile_overlayer_lowered:
.L_overlay_start_2:
0xe3: {  	(tag) =	ssettag $0x2  }
0xe4: {  	s0 =	rddreg [dreg:$0x0];
	s2 =	stileid.u32  }
0xe5: {  	s1 =	rddreg [dreg:$0x1];
	p0 =	sne.s32 s2, $0x0  }
0xe6: {  	s3 =	rddreg [dreg:$0x2];
	[bflag:$0x3] =	sbarrier.arrive $0xFFFF;
	s2 =	simm.s32 @!p0 $0x1C03  }
0xe7: {  	[timem:s3], [sflag:s2] =	dma.local @!p0 [hbm:s0], s1  }
0xe8: {  	s0 =	simm.s32 @!p0 $0x3  }
0xe9: {  	_ =	swait.ge @!p0 [sflag:s0], s1  }
0xea: {  	s1 =	ssub.s32 @!p0 $0x0, s1;
	[sflag:s0] =	ssyncset.done @!p0 $0x0  }
0xeb: {  	[sflag:s0] =	ssyncadd.s32 @!p0 s1  }
0xec: {  	[bflag:$0x3] =	sbarrier.arrive $0xFFFF  }
0xed: {  	_ =	shalt  }

// kernel: kernel.9.cloned.1.call-start
scs
__scs_entry_jumppad:
0x0: {  	(pc) =	sbr.rel $0x88, $3  }
0x1: {  	(tag) =	ssettag $0x0;
	lr =	simm.s32 $0x1  }
0x2: {  	[smem:$0x3F92] =	sst lr;
	_ =	strace $0xD0000000  }
0x3: {  	_ = 	snop  }
0x4: {  	_ = 	snop  }
0x5: {  	_ = 	snop  }
0x6: {  	_ = 	snop  }
0x7: {  	_ = 	snop  }
__scs_overlays_trampoline_lowered:
0x8: {  	[smem:$0x3FA1] =	sst s0  }
0x9: {  	[smem:$0x3FA2] =	sst s1  }
0xa: {  	[smem:$0x3FA3] =	sst s2  }
0xb: {  	[smem:$0x3FA4] =	sst s3  }
0xc: {  	[smem:$0x3FA5] =	sst s4  }
0xd: {  	[smem:$0x3FA6] =	sst s5  }
0xe: {  	[smem:$0x3FA7] =	sst s6  }
0xf: {  	[smem:$0x3FA8] =	sst s7  }
0x10: {  	[smem:$0x3FA9] =	sst s8  }
0x11: {  	[smem:$0x3FAA] =	sst s9;
	s0 =	simm.s32 @!p0 $0x0  }
0x12: {  	s1 =	sld [smem:$0x3F90];
	s0 =	simm.s32 @p0 $0x1  }
0x13: {  	[smem:$0x3FAB] =	sst s0;
	s0 =	simm.s32 @!p1 $0x0  }
0x14: {  	s2 =	sld [smem:$0x3F8F];
	s0 =	simm.s32 @p1 $0x1  }
0x15: {  	[smem:$0x3FAC] =	sst s0;
	s0 =	simm.s32 @!p2 $0x0  }
0x16: {  	s3 =	sld [smem:$0x3FDB];
	s0 =	simm.s32 @p2 $0x1  }
0x17: {  	s4 =	simm.s32 $0x1BF5;
	[smem:$0x3FAE] =	sst s0  }
0x18: {  	s0 =	sld [smem:$0x3F91];
	_ =	swait.ge [sflag:s4], $0x0  }
0x19: {  	s7 =	sld [smem:$0x3F92]  }
0x1a: {  	s8 =	sadd.s32 $0xFFFFE003, lr  }
0x1b: {  	s9 =	sadd.s32 $0xFFFFFEF7, lr;
	s5 =	simm.s32 $0xFFFFFFFF;
	p2 =	slt.u32 s8, $0xFFFFF086  }
0x1c: {  	p1 =	slt.u32 s9, $0xF7A;
	s5 =	simm.s32 @!p2 $0x0  }
0x1d: {  	s5 =	simm.s32 @p1 $0x1;
	p0 =	seq.s32 s7, s2  }
0x1e: {  	s7 =	smul.u32 @!p0 $0xF7A, s2;
	p2 =	seq.s32 @!p0 s5, $0x0  }
0x1f: {  	s9 =	smul.u32 $0xF7A, s1;
	s8 =	simm.s32 @!p0 $0x1BF5;
	p2 =	por !p2, p0  }
0x20: {  	[sflag:s8] =	ssyncset.s32 @!p0 $0xFFFFF086;
	s6 =	sadd.s32 @!p0 s3, s7;
	s7 =	simm.s32 @!p0 $0x108  }
0x21: {  	s3 =	sadd.s32 s3, s9;
	s6 =	sadd.s32 @!p0 $0x88, s6;
	s7 =	simm.s32 @p2 $0x1082  }
0x22: {  	[simem:s7], [sflag:s8] =	dma.local @!p0 [hbm:s6], $0xF7A  }
0x23: {  	s9 =	sor.u32 $0xD0000000, s2;
	s6 =	simm.s32 $0x108;
	_ =	swait.ge @!p0 [sflag:s8], $0x0  }
0x24: {  	s3 =	sadd.s32 $0x88, s3;
	s6 =	simm.s32 @!p1 $0x1082;
	[sflag:s4] =	ssyncset.s32 $0xFFFFF086  }
0x25: {  	[simem:s6], [sflag:s4] =	dma.local [hbm:s3], $0xF7A  }
0x26: {  	[smem:$0x3F92] =	sst s1;
	(tag) =	ssettag s2;
	_ =	strace s9  }
0x27: {  	s1 =	sld [smem:$0x3FA2]  }
0x28: {  	s2 =	sld [smem:$0x3FA3]  }
0x29: {  	s4 =	sld [smem:$0x3FA5]  }
0x2a: {  	p0 =	seq.s32 s5, $0x0;
	s5 =	sld [smem:$0x3FA6]  }
0x2b: {  	s6 =	sld [smem:$0x3FA7]  }
0x2c: {  	s7 =	sld [smem:$0x3FA8]  }
0x2d: {  	s3 =	simm.s32 $0x108;
	s8 =	sld [smem:$0x3FA9]  }
0x2e: {  	s3 =	simm.s32 @!p0 $0x1082;
	s9 =	sld [smem:$0x3FAA]  }
0x2f: {  	lr =	sadd.s32 s0, s3;
	s0 =	sld [smem:$0x3FA1]  }
0x30: {  	s3 =	sld [smem:$0x3FA4]  }
0x31: {  	[smem:$0x3FAD] =	sst s10  }
0x32: {  	s10 =	sld [smem:$0x3FAB];
	_ =	sdelay $0x3  }
0x33: {  	p0 =	seq.s32 s10, $0x1;
	s10 =	sld [smem:$0x3FAD];
	_ =	sdelay $0x3  }
0x34: {  	[smem:$0x3FAD] =	sst s10  }
0x35: {  	s10 =	sld [smem:$0x3FAC];
	_ =	sdelay $0x3  }
0x36: {  	p1 =	seq.s32 s10, $0x1;
	s10 =	sld [smem:$0x3FAD];
	_ =	sdelay $0x3  }
0x37: {  	[smem:$0x3FAD] =	sst s10  }
0x38: {  	s10 =	sld [smem:$0x3FAE]  }
0x39: {  	_ = 	snop;
	(pc) =	sbr.ind lr, $3  }
0x3a: {  	_ = 	snop  }
0x3b: {  	_ = 	snop  }
0x3c: {  	p2 =	seq.s32 s10, $0x1;
	s10 =	sld [smem:$0x3FAD]  }
0x3d: {  	_ =	shalt  }
0x3e: {  	_ =	shalt  }
0x3f: {  	_ =	shalt  }
0x40: {  	_ =	shalt  }
0x41: {  	_ =	shalt  }
0x42: {  	_ =	shalt  }
0x43: {  	_ =	shalt  }
0x44: {  	_ =	shalt  }
0x45: {  	_ =	shalt  }
0x46: {  	_ =	shalt  }
0x47: {  	_ =	shalt  }
0x48: {  	_ =	shalt  }
0x49: {  	_ =	shalt  }
0x4a: {  	_ =	shalt  }
0x4b: {  	_ =	shalt  }
0x4c: {  	_ =	shalt  }
0x4d: {  	_ =	shalt  }
0x4e: {  	_ =	shalt  }
0x4f: {  	_ =	shalt  }
0x50: {  	_ =	shalt  }
0x51: {  	_ =	shalt  }
0x52: {  	_ =	shalt  }
0x53: {  	_ =	shalt  }
0x54: {  	_ =	shalt  }
0x55: {  	_ =	shalt  }
0x56: {  	_ =	shalt  }
0x57: {  	_ =	shalt  }
0x58: {  	_ =	shalt  }
0x59: {  	_ =	shalt  }
0x5a: {  	_ =	shalt  }
0x5b: {  	_ =	shalt  }
0x5c: {  	_ =	shalt  }
0x5d: {  	_ =	shalt  }
0x5e: {  	_ =	shalt  }
0x5f: {  	_ =	shalt  }
0x60: {  	_ =	shalt  }
0x61: {  	_ =	shalt  }
0x62: {  	_ =	shalt  }
0x63: {  	_ =	shalt  }
0x64: {  	_ =	shalt  }
0x65: {  	_ =	shalt  }
0x66: {  	_ =	shalt  }
0x67: {  	_ =	shalt  }
0x68: {  	_ =	shalt  }
0x69: {  	_ =	shalt  }
0x6a: {  	_ =	shalt  }
0x6b: {  	_ =	shalt  }
0x6c: {  	_ =	shalt  }
0x6d: {  	_ =	shalt  }
0x6e: {  	_ =	shalt  }
0x6f: {  	_ =	shalt  }
0x70: {  	_ =	shalt  }
0x71: {  	_ =	shalt  }
0x72: {  	_ =	shalt  }
0x73: {  	_ =	shalt  }
0x74: {  	_ =	shalt  }
0x75: {  	_ =	shalt  }
0x76: {  	_ =	shalt  }
0x77: {  	_ =	shalt  }
0x78: {  	_ =	shalt  }
0x79: {  	_ =	shalt  }
0x7a: {  	_ =	shalt  }
0x7b: {  	_ =	shalt  }
0x7c: {  	_ =	shalt  }
0x7d: {  	_ =	shalt  }
0x7e: {  	_ =	shalt  }
0x7f: {  	_ =	shalt  }
0x80: {  	_ =	shalt  }
0x81: {  	_ =	shalt  }
0x82: {  	_ =	shalt  }
0x83: {  	_ =	shalt  }
0x84: {  	_ =	shalt  }
0x85: {  	_ =	shalt  }
0x86: {  	_ =	shalt  }
0x87: {  	_ =	shalt  }
.Lfunc_end0:
.L_simem_size_0:
called_computation.1_lowered:
.L_overlay_start_0:
0x88: {  	s2 =	sld [smem:$0x3FD9]  }
0x89: {  	s3 =	sld [smem:$0x3FFE];
	_ =	sdelay $0x1  }
0x8a: {  	s1 =	srdreg.scid  }
0x8b: {  	s0 =	sand.u32 $0x1, s1  }
0x8c: {  	s16 =	sshll.u32 s0, $0xA;
	s2 =	sadd.s32 s3, s2  }
0x8d: {  	s2 =	sadd.s32 s2, s16  }
0x8e: {  	[smem:$0x3FB9] =	sst s2  }
0x8f: {  	_ = 	snop  }
0x90: {  	(tm) =	ssettm $0x1  }
0x91: {  	s17 =	sld [smem:$0x3FFB];
	_ =	sdelay $0x3  }
0x92: {  	_ =	strace s17  }
0x93: {  	s2 =	sld [smem:$0x3FFC];
	_ =	sdelay $0x3  }
0x94: {  	_ =	strace s2  }
0x95: {  	s2 =	sld [smem:$0x3FFD];
	_ =	sdelay $0x3  }
0x96: {  	_ =	strace s2  }
0x97: {  	_ =	strace $0x8FFFFFFF  }
0x98: {  	s18 =	sld [smem:$0x3FDB];
	_ =	sdelay $0x1  }
0x99: {  	s19 =	simm.s32 $_scs_section_size  }
0x9a: {  	s4 =	simm.s32 $_size__tile_overlayer_lowered;
	s5 =	simm.s32 $_tile_overlayer_lowered  }
0x9b: {  	s22 =	simm.s32 $0x1BFF;
	s21 =	sshll.u32 s5, $0x1;
	s2 =	sadd.s32 s19, s18  }
0x9c: {  	s6 =	simm.s32 $0x0;
	s20 =	sshll.u32 s4, $0x1;
	s4 =	sadd.s32 s21, s2  }
0x9d: {  	[timem:s6], [sflag:s22] =	dma.local [hbm:s4], s20  }
0x9e: {  	_ =	swait.ge [sflag:s22], s20  }
0x9f: {  	s3 =	ssub.s32 $0x0, s20;
	[sflag:s22] =	ssyncset.done $0x0  }
0xa0: {  	[sflag:s22] =	ssyncadd.s32 s3;
	_ =	sdelay $0x1  }
0xa1: {  	s23 =	simm.s32 $0x1B8B  }
0xa2: {  	_ =	swait.ge [sflag:s23], $0x1  }
0xa3: {  	[sflag:s23] =	ssyncset.done $0x0  }
0xa4: {  	s25 =	simm.s32 $0x1B8E;
	s24 =	sld [smem:$0x3FFE];
	[sflag:s23] =	ssyncadd.s32 $0xFFFFFFFF  }
0xa5: {  	s26 =	simm.s32 $execute0_lowered;
	[smem:$0x3FD2] =	sst s25  }
0xa6: {  	s4 =	sshll.u32 s26, $0x1;
	_ =	strace $0x80000046;
	[dreg:$0x1] =	wrdreg $0xFFFFFFFF  }
0xa7: {  	s28 =	simm.s32 $_size_execute0_lowered;
	s2 =	sadd.s32 s2, s4;
	[dreg:$0x0] =	wrdreg $0x0  }
0xa8: {  	s4 =	sshll.u32 s28, $0x1;
	[dreg:$0x2] =	wrdreg s2  }
0xa9: {  	[dreg:$0x3] =	wrdreg s4  }
0xaa: {  	[dreg:$0x4] =	wrdreg $0xC0  }
0xab: {  	_ =	task [dreg:s6], $0x5FFFF  }
0xac: {  	[dreg:$0x1] =	wrdreg $0xFFFFFFFF  }
0xad: {  	[dreg:$0x0] =	wrdreg $0x60  }
0xae: {  	[dreg:$0x2] =	wrdreg s24  }
0xaf: {  	[dreg:$0x3] =	wrdreg $0xA  }
0xb0: {  	_ =	task.clear_ibuf [dreg:s6], $0x4FFFF;
	_ =	strace $0x90000046  }
0xb1: {  	s29 =	simm.s32 $0xA;
	_ =	strace $0x80000048  }
0xb2: {  	_ =	swait.ge [sflag:s29], $0x1  }
0xb3: {  	[sflag:s29] =	ssyncadd.s32 $0xFFFFFFFF  }
0xb4: {  	_ =	strace $0x90000048  }
0xb5: {  	_ =	sfence  }
0xb6: {  	s30 =	sld [smem:$0x0];
	_ =	sdelay $0x2  }
0xb7: {  	s31 =	sshll.u32 s1, $0xD;
	s1 =	sshrl.u32 s1, $0x2  }
0xb8: {  	s3 =	sand.u32 $0x4000, s31;
	s1 =	sadd.s32 s1, s30  }
0xb9: {  	s0 =	sor.u32 s3, s0;
	s1 =	sshll.u32 s1, $0x11  }
0xba: {  	s0 =	sor.u32 s1, s0  }
0xbb: {  	s0 =	sadd.s32 $0x8F2B, s0  }
0xbc: {  	[sflag:s0] =	ssyncadd.remote.s32 $0x1  }
0xbd: {  	_ =	sfence.sel $0xFFFF  }
0xbe: {  	[dreg:$0x0] =	wrdreg $0xFFFFFFFF;
	(pc) =	sbr.abs _section_cstart, $3  }
0xbf: {  	[dreg:$0x1] =	wrdreg $0xFFFFFFFF  }
0xc0: {  	_ =	task.clear_ibuf [dreg:s6], $0x2FFFF;
	_ =	strace $0x9FFFFFFF  }
0xc1: {  	(tm) =	ssettm $0x7FFFFFFF  }
tec
execute0_lowered:
.L_overlay_start_1:
0x0: {  	(tag) =	ssettag $0x1  }
0x1: {  	s1 =	srdreg.scid  }
0x2: {  	s0 =	stileid.u32;
	s25 =	rddreg [dreg:$0x0]  }
0x3: {  	s2 =	simm.s32 $0x0;
	s1 =	sand.u32 $0x1, s1;
	s3 =	sshll.u32 s0, $0x1  }
0x4: {  	[smem:$0x7FF] =	sst s2;
	s3 =	sor.u32 s1, s3  }
0x5: {  	s5 =	sadd.s32 $0x1A4C00, s25;
	s4 =	sshll.u32 s3, $0x8;
	s26 =	sshll.u32 s3, $0xD  }
0x6: {  	_ =	strace $0x80000047;
	s4 =	sadd.s32 s4, s25;
	s3 =	sadd.s32 s5, s26  }
0x7: {  	s28 =	sor.u32 $0x800, s26;
	s4 =	sadd.s32 $0x2C00, s4;
	[dreg:$0x3] =	wrdreg s3  }
0x8: {  	s30 =	sor.u32 $0x1000, s26;
	s22 =	sadd.s32 s5, s28;
	[dreg:$0x2] =	wrdreg s4  }
0x9: {  	s31 =	sor.u32 $0x1800, s26;
	s23 =	sadd.s32 s5, s30;
	[dreg:$0x4] =	wrdreg s22  }
0xa: {  	s24 =	sadd.s32 s5, s31;
	[dreg:$0x5] =	wrdreg s23  }
0xb: {  	[dreg:$0x6] =	wrdreg s24  }
0xc: {  	s3 =	simm.s32 $0x3;
	s4 =	rddreg [dreg:$0x2]  }
0xd: {  	[tilespmem:s2], [sflag:$0x3] =	stream.linear.gather [hbm4b:s4+s2], $0x600, $0x38;
	[tilespmem:$0x10800] =	vst v63  }
0xe: {  	_ =	swait.ge [sflag:s3], $0x600  }
0xf: {  	s6 =	simm.s32 $0x800;
	[sflag:s3] =	ssyncset.done $0x0  }
0x10: {  	s5 =	simm.s32 $0x80;
	s4 =	sadd.s32 $0x4C00, s25;
	[sflag:s3] =	ssyncadd.s32 $0xFFFFFA00  }
0x11: {  	[tilespmem:s6], [sflag:$0x1] =	stream.indirect.gather [hbm4b:s4+s5], $0x80, s2, s5, $0xb8;
	[tilespmem:$0x10800] =	vst v63  }
0x12: {  	s7 =	simm.s32 $0x4800;
	s8 =	simm.s32 $0x1  }
0x13: {  	[tilespmem:s7], [sflag:$0x1] =	stream.indirect.gather [hbm4b:s4+s5], $0x80, s5, s5, $0xb8;
	[tilespmem:$0x10800] =	vst v63  }
0x14: {  	_ =	swait.ge [sflag:s8], $0x4000  }
0x15: {  	[sflag:s8] =	ssyncset.done $0x0  }
0x16: {  	s9 =	rddreg [dreg:$0x3];
	[sflag:s8] =	ssyncadd.s32 $0xFFFFC000  }
0x17: {  	[hbm4b:s9+s2] =	stream.linear.scatter [tilespmem:s6], [sflag:$0x2], $0x4000, $0x38;
	[tilespmem:$0x10800] =	vst v63  }
0x18: {  	s10 =	simm.s32 $0x8800;
	s9 =	simm.s32 $0x100  }
0x19: {  	[tilespmem:s10], [sflag:$0x1] =	stream.indirect.gather [hbm4b:s4+s5], $0x80, s9, s5, $0xb8;
	[tilespmem:$0x10800] =	vst v63  }
0x1a: {  	_ =	swait.ge [sflag:s8], $0x4000  }
0x1b: {  	[sflag:s8] =	ssyncset.done $0x0  }
0x1c: {  	s11 =	rddreg [dreg:$0x4];
	[sflag:s8] =	ssyncadd.s32 $0xFFFFC000  }
0x1d: {  	[hbm4b:s11+s2] =	stream.linear.scatter [tilespmem:s7], [sflag:$0x2], $0x4000, $0x38;
	[tilespmem:$0x10800] =	vst v63  }
0x1e: {  	s12 =	simm.s32 $0xC800;
	s11 =	simm.s32 $0x180  }
0x1f: {  	[tilespmem:s12], [sflag:$0x1] =	stream.indirect.gather [hbm4b:s4+s5], $0x80, s11, s5, $0xb8;
	[tilespmem:$0x10800] =	vst v63  }
0x20: {  	_ =	swait.ge [sflag:s8], $0x4000  }
0x21: {  	[sflag:s8] =	ssyncset.done $0x0  }
0x22: {  	s13 =	simm.s32 $0x2;
	s14 =	rddreg [dreg:$0x5];
	[sflag:s8] =	ssyncadd.s32 $0xFFFFC000  }
0x23: {  	[hbm4b:s14+s2] =	stream.linear.scatter [tilespmem:s10], [sflag:$0x2], $0x4000, $0x38;
	[tilespmem:$0x10800] =	vst v63  }
0x24: {  	_ =	swait.ge [sflag:s13], $0x4000  }
0x25: {  	[sflag:s13] =	ssyncset.done $0x0  }
0x26: {  	s15 =	simm.s32 $0x200;
	s14 =	sadd.s32 $0xD4C00, s25;
	[sflag:s13] =	ssyncadd.s32 $0xFFFFC000  }
0x27: {  	[tilespmem:s6], [sflag:$0x1] =	stream.indirect.gather [hbm4b:s14+s5], $0x80, s15, s5, $0xb8;
	[tilespmem:$0x10800] =	vst v63  }
0x28: {  	_ =	swait.ge [sflag:s8], $0x4000  }
0x29: {  	[sflag:s8] =	ssyncset.done $0x0  }
0x2a: {  	s16 =	rddreg [dreg:$0x6];
	[sflag:s8] =	ssyncadd.s32 $0xFFFFC000  }
0x2b: {  	[hbm4b:s16+s2] =	stream.linear.scatter [tilespmem:s12], [sflag:$0x2], $0x4000, $0x38;
	[tilespmem:$0x10800] =	vst v63  }
0x2c: {  	_ =	swait.ge [sflag:s13], $0x4000  }
0x2d: {  	[sflag:s13] =	ssyncset.done $0x0  }
0x2e: {  	s16 =	simm.s32 $0x280;
	[sflag:s13] =	ssyncadd.s32 $0xFFFFC000  }
0x2f: {  	[tilespmem:s7], [sflag:$0x1] =	stream.indirect.gather [hbm4b:s14+s5], $0x80, s16, s5, $0xb8;
	[tilespmem:$0x10800] =	vst v63  }
0x30: {  	_ =	swait.ge [sflag:s8], $0x4000  }
0x31: {  	s23 =	sadd.s32 $0x1E4C00, s25;
	[sflag:s8] =	ssyncset.done $0x0  }
0x32: {  	s17 =	sadd.s32 s23, s26;
	[sflag:s8] =	ssyncadd.s32 $0xFFFFC000  }
0x33: {  	[hbm4b:s17+s2] =	stream.linear.scatter [tilespmem:s6], [sflag:$0x2], $0x4000, $0x38;
	[tilespmem:$0x10800] =	vst v63  }
0x34: {  	_ =	swait.ge [sflag:s13], $0x4000  }
0x35: {  	[sflag:s13] =	ssyncset.done $0x0  }
0x36: {  	s18 =	simm.s32 $0x300;
	[sflag:s13] =	ssyncadd.s32 $0xFFFFC000  }
0x37: {  	[tilespmem:s10], [sflag:$0x1] =	stream.indirect.gather [hbm4b:s14+s5], $0x80, s18, s5, $0xb8;
	[tilespmem:$0x10800] =	vst v63  }
0x38: {  	_ =	swait.ge [sflag:s8], $0x4000  }
0x39: {  	[sflag:s8] =	ssyncset.done $0x0  }
0x3a: {  	s19 =	sadd.s32 s23, s28;
	[sflag:s8] =	ssyncadd.s32 $0xFFFFC000  }
0x3b: {  	[hbm4b:s19+s2] =	stream.linear.scatter [tilespmem:s7], [sflag:$0x2], $0x4000, $0x38;
	[tilespmem:$0x10800] =	vst v63  }
0x3c: {  	_ =	swait.ge [sflag:s13], $0x4000  }
0x3d: {  	[sflag:s13] =	ssyncset.done $0x0  }
0x3e: {  	s20 =	simm.s32 $0x380;
	[sflag:s13] =	ssyncadd.s32 $0xFFFFC000  }
0x3f: {  	[tilespmem:s12], [sflag:$0x1] =	stream.indirect.gather [hbm4b:s14+s5], $0x80, s20, s5, $0xb8;
	[tilespmem:$0x10800] =	vst v63  }
0x40: {  	_ =	swait.ge [sflag:s8], $0x4000  }
0x41: {  	[sflag:s8] =	ssyncset.done $0x0  }
0x42: {  	s21 =	sadd.s32 s23, s30;
	[sflag:s8] =	ssyncadd.s32 $0xFFFFC000  }
0x43: {  	[hbm4b:s21+s2] =	stream.linear.scatter [tilespmem:s10], [sflag:$0x2], $0x4000, $0x38;
	[tilespmem:$0x10800] =	vst v63  }
0x44: {  	_ =	swait.ge [sflag:s13], $0x4000  }
0x45: {  	[sflag:s13] =	ssyncset.done $0x0  }
0x46: {  	s22 =	simm.s32 $0x400;
	[sflag:s13] =	ssyncadd.s32 $0xFFFFC000  }
0x47: {  	[tilespmem:s6], [sflag:$0x1] =	stream.indirect.gather [hbm4b:s14+s5], $0x80, s22, s5, $0xb8;
	[tilespmem:$0x10800] =	vst v63  }
0x48: {  	_ =	swait.ge [sflag:s8], $0x4000  }
0x49: {  	[sflag:s8] =	ssyncset.done $0x0  }
0x4a: {  	s23 =	sadd.s32 s23, s31;
	[sflag:s8] =	ssyncadd.s32 $0xFFFFC000  }
0x4b: {  	[hbm4b:s23+s2] =	stream.linear.scatter [tilespmem:s12], [sflag:$0x2], $0x4000, $0x38;
	[tilespmem:$0x10800] =	vst v63  }
0x4c: {  	_ =	swait.ge [sflag:s13], $0x4000  }
0x4d: {  	[sflag:s13] =	ssyncset.done $0x0  }
0x4e: {  	s24 =	simm.s32 $0x480;
	[sflag:s13] =	ssyncadd.s32 $0xFFFFC000  }
0x4f: {  	[tilespmem:s7], [sflag:$0x1] =	stream.indirect.gather [hbm4b:s14+s5], $0x80, s24, s5, $0xb8;
	[tilespmem:$0x10800] =	vst v63  }
0x50: {  	_ =	swait.ge [sflag:s8], $0x4000  }
0x51: {  	s0 =	sadd.s32 $0x224C00, s25;
	[sflag:s8] =	ssyncset.done $0x0  }
0x52: {  	s25 =	sadd.s32 s0, s26;
	[sflag:s8] =	ssyncadd.s32 $0xFFFFC000  }
0x53: {  	[hbm4b:s25+s2] =	stream.linear.scatter [tilespmem:s6], [sflag:$0x2], $0x4000, $0x38;
	[tilespmem:$0x10800] =	vst v63  }
0x54: {  	_ =	swait.ge [sflag:s13], $0x4000  }
0x55: {  	[sflag:s13] =	ssyncset.done $0x0  }
0x56: {  	s26 =	simm.s32 $0x500;
	[sflag:s13] =	ssyncadd.s32 $0xFFFFC000  }
0x57: {  	[tilespmem:s10], [sflag:$0x1] =	stream.indirect.gather [hbm4b:s14+s5], $0x80, s26, s5, $0xb8;
	[tilespmem:$0x10800] =	vst v63  }
0x58: {  	_ =	swait.ge [sflag:s8], $0x4000  }
0x59: {  	[sflag:s8] =	ssyncset.done $0x0  }
0x5a: {  	s28 =	sadd.s32 s0, s28;
	[sflag:s8] =	ssyncadd.s32 $0xFFFFC000  }
0x5b: {  	[hbm4b:s28+s2] =	stream.linear.scatter [tilespmem:s7], [sflag:$0x2], $0x4000, $0x38;
	[tilespmem:$0x10800] =	vst v63  }
0x5c: {  	_ =	swait.ge [sflag:s13], $0x4000  }
0x5d: {  	[sflag:s13] =	ssyncset.done $0x0  }
0x5e: {  	s29 =	simm.s32 $0x580;
	[sflag:s13] =	ssyncadd.s32 $0xFFFFC000  }
0x5f: {  	[tilespmem:s12], [sflag:$0x1] =	stream.indirect.gather [hbm4b:s14+s5], $0x80, s29, s5, $0xb8;
	[tilespmem:$0x10800] =	vst v63  }
0x60: {  	_ =	swait.ge [sflag:s8], $0x4000  }
0x61: {  	[sflag:s8] =	ssyncset.done $0x0  }
0x62: {  	s30 =	sadd.s32 s0, s30;
	[sflag:s8] =	ssyncadd.s32 $0xFFFFC000  }
0x63: {  	[hbm4b:s30+s2] =	stream.linear.scatter [tilespmem:s10], [sflag:$0x2], $0x4000, $0x38;
	[tilespmem:$0x10800] =	vst v63  }
0x64: {  	_ =	swait.ge [sflag:s8], $0x4000  }
0x65: {  	[sflag:s8] =	ssyncset.done $0x0  }
0x66: {  	s31 =	sadd.s32 s0, s31;
	[sflag:s8] =	ssyncadd.s32 $0xFFFFC000  }
0x67: {  	[hbm4b:s31+s2] =	stream.linear.scatter [tilespmem:s12], [sflag:$0x2], $0x4000, $0x38;
	[tilespmem:$0x10800] =	vst v63  }
0x68: {  	s0 =	ssub.s32 $0x2, s1;
	_ =	swait.ge [sflag:s13], $0x4000  }
0x69: {  	s1 =	sshrl.u32 s0, $0x1;
	[sflag:s13] =	ssyncset.done $0x0  }
0x6a: {  	s0 =	ssub.s32 s0, s1;
	[sflag:s13] =	ssyncadd.s32 $0xFFFFC000  }
0x6b: {  	s0 =	smax.u32 s0, $0x1;
	_ =	swait.ge [sflag:s13], $0x4000  }
0x6c: {  	p0 =	sne.s32 s0, $0x1;
	[sflag:s13] =	ssyncset.done $0x0  }
.Ltmp0:
0x6d: {  	[sflag:s13] =	ssyncadd.s32 $0xFFFFC000;
	(pc) =	sbr.rel @!p0 .LBB2_2-.Ltmp0, $4  }
0x6e: {  	_ =	swait.ge [sflag:s13], $0x4000  }
0x6f: {  	[sflag:s13] =	ssyncset.done $0x0  }
0x70: {  	[sflag:s13] =	ssyncadd.s32 $0xFFFFC000  }
0x71: {  	s1 =	sadd.s32 $0xFFFFFFFF, s0;
	_ =	swait.ge [sflag:s13], $0x4000  }
.LBB2_1:
0x72: {  	[sflag:s13] =	ssyncset.done $0x0  }
0x73: {  	s0 =	rddreg [dreg:$0x2];
	[sflag:s13] =	ssyncadd.s32 $0xFFFFC000  }
0x74: {  	[tilespmem:s2], [sflag:$0x3] =	stream.linear.gather [hbm4b:s0+s2], $0x600, $0x38;
	[tilespmem:$0x10800] =	vst v63  }
0x75: {  	_ =	swait.ge [sflag:s3], $0x600  }
0x76: {  	[sflag:s3] =	ssyncset.done $0x0  }
0x77: {  	[sflag:s3] =	ssyncadd.s32 $0xFFFFFA00  }
0x78: {  	[tilespmem:s6], [sflag:$0x1] =	stream.indirect.gather [hbm4b:s4+s5], $0x80, s2, s5, $0xb8;
	[tilespmem:$0x10800] =	vst v63  }
0x79: {  	_ = 	snop  }
0x7a: {  	[tilespmem:s7], [sflag:$0x1] =	stream.indirect.gather [hbm4b:s4+s5], $0x80, s5, s5, $0xb8;
	[tilespmem:$0x10800] =	vst v63  }
0x7b: {  	_ =	swait.ge [sflag:s8], $0x4000  }
0x7c: {  	[sflag:s8] =	ssyncset.done $0x0  }
0x7d: {  	s0 =	rddreg [dreg:$0x3];
	[sflag:s8] =	ssyncadd.s32 $0xFFFFC000  }
0x7e: {  	[hbm4b:s0+s2] =	stream.linear.scatter [tilespmem:s6], [sflag:$0x2], $0x4000, $0x38;
	[tilespmem:$0x10800] =	vst v63  }
0x7f: {  	_ = 	snop  }
0x80: {  	[tilespmem:s10], [sflag:$0x1] =	stream.indirect.gather [hbm4b:s4+s5], $0x80, s9, s5, $0xb8;
	[tilespmem:$0x10800] =	vst v63  }
0x81: {  	_ =	swait.ge [sflag:s8], $0x4000  }
0x82: {  	[sflag:s8] =	ssyncset.done $0x0  }
0x83: {  	s0 =	rddreg [dreg:$0x4];
	[sflag:s8] =	ssyncadd.s32 $0xFFFFC000  }
0x84: {  	[hbm4b:s0+s2] =	stream.linear.scatter [tilespmem:s7], [sflag:$0x2], $0x4000, $0x38;
	[tilespmem:$0x10800] =	vst v63  }
0x85: {  	_ = 	snop  }
0x86: {  	[tilespmem:s12], [sflag:$0x1] =	stream.indirect.gather [hbm4b:s4+s5], $0x80, s11, s5, $0xb8;
	[tilespmem:$0x10800] =	vst v63  }
0x87: {  	_ =	swait.ge [sflag:s8], $0x4000  }
0x88: {  	[sflag:s8] =	ssyncset.done $0x0  }
0x89: {  	s0 =	rddreg [dreg:$0x5];
	[sflag:s8] =	ssyncadd.s32 $0xFFFFC000  }
0x8a: {  	[hbm4b:s0+s2] =	stream.linear.scatter [tilespmem:s10], [sflag:$0x2], $0x4000, $0x38;
	[tilespmem:$0x10800] =	vst v63  }
0x8b: {  	_ =	swait.ge [sflag:s13], $0x4000  }
0x8c: {  	[sflag:s13] =	ssyncset.done $0x0  }
0x8d: {  	[sflag:s13] =	ssyncadd.s32 $0xFFFFC000  }
0x8e: {  	[tilespmem:s6], [sflag:$0x1] =	stream.indirect.gather [hbm4b:s14+s5], $0x80, s15, s5, $0xb8;
	[tilespmem:$0x10800] =	vst v63  }
0x8f: {  	_ =	swait.ge [sflag:s8], $0x4000  }
0x90: {  	[sflag:s8] =	ssyncset.done $0x0  }
0x91: {  	s0 =	rddreg [dreg:$0x6];
	[sflag:s8] =	ssyncadd.s32 $0xFFFFC000  }
0x92: {  	[hbm4b:s0+s2] =	stream.linear.scatter [tilespmem:s12], [sflag:$0x2], $0x4000, $0x38;
	[tilespmem:$0x10800] =	vst v63  }
0x93: {  	_ =	swait.ge [sflag:s13], $0x4000  }
0x94: {  	[sflag:s13] =	ssyncset.done $0x0  }
0x95: {  	[sflag:s13] =	ssyncadd.s32 $0xFFFFC000  }
0x96: {  	[tilespmem:s7], [sflag:$0x1] =	stream.indirect.gather [hbm4b:s14+s5], $0x80, s16, s5, $0xb8;
	[tilespmem:$0x10800] =	vst v63  }
0x97: {  	_ =	swait.ge [sflag:s8], $0x4000  }
0x98: {  	[sflag:s8] =	ssyncset.done $0x0  }
0x99: {  	[sflag:s8] =	ssyncadd.s32 $0xFFFFC000  }
0x9a: {  	[hbm4b:s17+s2] =	stream.linear.scatter [tilespmem:s6], [sflag:$0x2], $0x4000, $0x38;
	[tilespmem:$0x10800] =	vst v63  }
0x9b: {  	_ =	swait.ge [sflag:s13], $0x4000  }
0x9c: {  	[sflag:s13] =	ssyncset.done $0x0  }
0x9d: {  	[sflag:s13] =	ssyncadd.s32 $0xFFFFC000  }
0x9e: {  	[tilespmem:s10], [sflag:$0x1] =	stream.indirect.gather [hbm4b:s14+s5], $0x80, s18, s5, $0xb8;
	[tilespmem:$0x10800] =	vst v63  }
0x9f: {  	_ =	swait.ge [sflag:s8], $0x4000  }
0xa0: {  	[sflag:s8] =	ssyncset.done $0x0  }
0xa1: {  	[sflag:s8] =	ssyncadd.s32 $0xFFFFC000  }
0xa2: {  	[hbm4b:s19+s2] =	stream.linear.scatter [tilespmem:s7], [sflag:$0x2], $0x4000, $0x38;
	[tilespmem:$0x10800] =	vst v63  }
0xa3: {  	_ =	swait.ge [sflag:s13], $0x4000  }
0xa4: {  	[sflag:s13] =	ssyncset.done $0x0  }
0xa5: {  	[sflag:s13] =	ssyncadd.s32 $0xFFFFC000  }
0xa6: {  	[tilespmem:s12], [sflag:$0x1] =	stream.indirect.gather [hbm4b:s14+s5], $0x80, s20, s5, $0xb8;
	[tilespmem:$0x10800] =	vst v63  }
0xa7: {  	_ =	swait.ge [sflag:s8], $0x4000  }
0xa8: {  	[sflag:s8] =	ssyncset.done $0x0  }
0xa9: {  	[sflag:s8] =	ssyncadd.s32 $0xFFFFC000  }
0xaa: {  	[hbm4b:s21+s2] =	stream.linear.scatter [tilespmem:s10], [sflag:$0x2], $0x4000, $0x38;
	[tilespmem:$0x10800] =	vst v63  }
0xab: {  	_ =	swait.ge [sflag:s13], $0x4000  }
0xac: {  	[sflag:s13] =	ssyncset.done $0x0  }
0xad: {  	[sflag:s13] =	ssyncadd.s32 $0xFFFFC000  }
0xae: {  	[tilespmem:s6], [sflag:$0x1] =	stream.indirect.gather [hbm4b:s14+s5], $0x80, s22, s5, $0xb8;
	[tilespmem:$0x10800] =	vst v63  }
0xaf: {  	_ =	swait.ge [sflag:s8], $0x4000  }
0xb0: {  	[sflag:s8] =	ssyncset.done $0x0  }
0xb1: {  	[sflag:s8] =	ssyncadd.s32 $0xFFFFC000  }
0xb2: {  	[hbm4b:s23+s2] =	stream.linear.scatter [tilespmem:s12], [sflag:$0x2], $0x4000, $0x38;
	[tilespmem:$0x10800] =	vst v63  }
0xb3: {  	_ =	swait.ge [sflag:s13], $0x4000  }
0xb4: {  	[sflag:s13] =	ssyncset.done $0x0  }
0xb5: {  	[sflag:s13] =	ssyncadd.s32 $0xFFFFC000  }
0xb6: {  	[tilespmem:s7], [sflag:$0x1] =	stream.indirect.gather [hbm4b:s14+s5], $0x80, s24, s5, $0xb8;
	[tilespmem:$0x10800] =	vst v63  }
0xb7: {  	_ =	swait.ge [sflag:s8], $0x4000  }
0xb8: {  	[sflag:s8] =	ssyncset.done $0x0  }
0xb9: {  	[sflag:s8] =	ssyncadd.s32 $0xFFFFC000  }
0xba: {  	[hbm4b:s25+s2] =	stream.linear.scatter [tilespmem:s6], [sflag:$0x2], $0x4000, $0x38;
	[tilespmem:$0x10800] =	vst v63  }
0xbb: {  	_ =	swait.ge [sflag:s13], $0x4000  }
0xbc: {  	[sflag:s13] =	ssyncset.done $0x0  }
0xbd: {  	[sflag:s13] =	ssyncadd.s32 $0xFFFFC000  }
0xbe: {  	[tilespmem:s10], [sflag:$0x1] =	stream.indirect.gather [hbm4b:s14+s5], $0x80, s26, s5, $0xb8;
	[tilespmem:$0x10800] =	vst v63  }
0xbf: {  	_ =	swait.ge [sflag:s8], $0x4000  }
0xc0: {  	[sflag:s8] =	ssyncset.done $0x0  }
0xc1: {  	[sflag:s8] =	ssyncadd.s32 $0xFFFFC000  }
0xc2: {  	[hbm4b:s28+s2] =	stream.linear.scatter [tilespmem:s7], [sflag:$0x2], $0x4000, $0x38;
	[tilespmem:$0x10800] =	vst v63  }
0xc3: {  	_ =	swait.ge [sflag:s13], $0x4000  }
0xc4: {  	[sflag:s13] =	ssyncset.done $0x0  }
0xc5: {  	[sflag:s13] =	ssyncadd.s32 $0xFFFFC000  }
0xc6: {  	[tilespmem:s12], [sflag:$0x1] =	stream.indirect.gather [hbm4b:s14+s5], $0x80, s29, s5, $0xb8;
	[tilespmem:$0x10800] =	vst v63  }
0xc7: {  	_ =	swait.ge [sflag:s8], $0x4000  }
0xc8: {  	[sflag:s8] =	ssyncset.done $0x0  }
0xc9: {  	[sflag:s8] =	ssyncadd.s32 $0xFFFFC000  }
0xca: {  	[hbm4b:s30+s2] =	stream.linear.scatter [tilespmem:s10], [sflag:$0x2], $0x4000, $0x38;
	[tilespmem:$0x10800] =	vst v63  }
0xcb: {  	_ =	swait.ge [sflag:s8], $0x4000  }
0xcc: {  	[sflag:s8] =	ssyncset.done $0x0  }
0xcd: {  	[sflag:s8] =	ssyncadd.s32 $0xFFFFC000  }
0xce: {  	[hbm4b:s31+s2] =	stream.linear.scatter [tilespmem:s12], [sflag:$0x2], $0x4000, $0x38;
	[tilespmem:$0x10800] =	vst v63  }
0xcf: {  	_ =	swait.ge [sflag:s13], $0x4000  }
0xd0: {  	[sflag:s13] =	ssyncset.done $0x0  }
0xd1: {  	[sflag:s13] =	ssyncadd.s32 $0xFFFFC000  }
0xd2: {  	_ =	swait.ge [sflag:s13], $0x4000  }
0xd3: {  	p0 =	sne.s32 s1, $0x1;
	[sflag:s13] =	ssyncset.done $0x0  }
.Ltmp1:
0xd4: {  	[sflag:s13] =	ssyncadd.s32 $0xFFFFC000;
	(pc) =	sbr.rel @p0 .LBB2_1-.Ltmp1, $4  }
0xd5: {  	_ =	swait.ge [sflag:s13], $0x4000  }
0xd6: {  	[sflag:s13] =	ssyncset.done $0x0  }
0xd7: {  	[sflag:s13] =	ssyncadd.s32 $0xFFFFC000  }
0xd8: {  	s1 =	sadd.s32 $0xFFFFFFFF, s1;
	_ =	swait.ge [sflag:s13], $0x4000  }
.LBB2_2:
0xd9: {  	[sflag:s13] =	ssyncset.done $0x0  }
0xda: {  	[sflag:s13] =	ssyncadd.s32 $0xFFFFC000  }
0xdb: {  	_ =	sfence.sel $0x180000  }
0xdc: {  	[bflag:$0x0] =	sbarrier.arrive $0xFFFF  }
0xdd: {  	_ =	strace $0x90000047  }
0xde: {  	s0 =	stileid.u32;
	[bflag:$0x2] =	sbarrier.arrive $0xFFFF  }
0xdf: {  	p0 =	sne.s32 s0, $0x0;
	s0 =	rddreg [dreg:$0x1]  }
0xe0: {  	s0 =	sadd.s32 @!p0 $0x100000, s0  }
0xe1: {  	[sflag:s0] =	ssyncadd.tile.s32 @!p0 $0x1;
	_ =	shalt  }
.Lfunc_end2:
_tile_overlayer_lowered:
.L_overlay_start_2:
0xe2: {  	(tag) =	ssettag $0x2  }
0xe3: {  	s0 =	rddreg [dreg:$0x0];
	s2 =	stileid.u32  }
0xe4: {  	s1 =	rddreg [dreg:$0x1];
	p0 =	sne.s32 s2, $0x0  }
0xe5: {  	s3 =	rddreg [dreg:$0x2];
	[bflag:$0x3] =	sbarrier.arrive $0xFFFF;
	s2 =	simm.s32 @!p0 $0x1C03  }
0xe6: {  	[timem:s3], [sflag:s2] =	dma.local @!p0 [hbm:s0], s1  }
0xe7: {  	s0 =	simm.s32 @!p0 $0x3  }
0xe8: {  	_ =	swait.ge @!p0 [sflag:s0], s1  }
0xe9: {  	s1 =	ssub.s32 @!p0 $0x0, s1;
	[sflag:s0] =	ssyncset.done @!p0 $0x0  }
0xea: {  	[sflag:s0] =	ssyncadd.s32 @!p0 s1  }
0xeb: {  	[bflag:$0x3] =	sbarrier.arrive $0xFFFF  }
0xec: {  	_ =	shalt  }

</sc_bundles>
